<compile_context>
chip_gen: v7x
topology: tpu7x:2x2x1
jax: 0.10.2.dev20260603
libtpu: 0.0.44.dev20260713+nightly
codegen_flags: <defaults>
</compile_context>

<pallas_src>
import functools

import jax
import jax.numpy as jnp
from jax import lax
from jax.experimental import pallas as pl
from jax.experimental.pallas import tpu as pltpu
from jax.experimental.pallas import tpu_sc as plsc

F = 2048
ROWS = 2 * 8192
NC = 2
NS = 16
L = 16
NW = NC * NS
ROWS_PER_W = ROWS // NW
CH = 8
NCHUNK = ROWS_PER_W // CH
NPAIR = NCHUNK // 2
G = F // L


def _sc_gather(x2d, idx):
    mesh = plsc.VectorSubcoreMesh(
        core_axis_name="c", subcore_axis_name="s", num_cores=NC,
        num_subcores=NS)

    @functools.partial(
        pl.kernel,
        out_type=jax.ShapeDtypeStruct((ROWS, F), jnp.float32),
        mesh=mesh,
        compiler_params=pltpu.CompilerParams(needs_layout_passes=False),
        scratch_types=[
            pltpu.VMEM((F,), jnp.int32),
            pltpu.VMEM((CH, F), jnp.float32),
            pltpu.VMEM((CH, F), jnp.float32),
            pltpu.VMEM((CH, F), jnp.float32),
            pltpu.VMEM((CH, F), jnp.float32),
            pltpu.SemaphoreType.DMA,
            pltpu.SemaphoreType.DMA,
            pltpu.SemaphoreType.DMA,
            pltpu.SemaphoreType.DMA,
        ],
    )
    def k(x_hbm, idx_hbm, out_hbm, idx_v, in0, in1, out0, out1,
          si0, si1, so0, so1):
        wid = lax.axis_index("s") * NC + lax.axis_index("c")
        base = wid * ROWS_PER_W
        pltpu.sync_copy(idx_hbm, idx_v)

        row_ids = [jnp.full((L,), r, jnp.int32) for r in range(CH)]

        def gather_rows(in_v, out_v, r0, nr):
            @plsc.parallel_loop(0, F, L, unroll=4)
            def _(j):
                iv = idx_v[pl.ds(j, L)]
                for r in range(r0, r0 + nr):
                    v = plsc.load_gather(in_v, [row_ids[r], iv])
                    out_v[r, pl.ds(j, L)] = v

        H = CH // 2

        def gather_and_flush(in_v, out_v, row, so):
            gather_rows(in_v, out_v, 0, H)
            pltpu.async_copy(out_v.at[pl.ds(0, H), :],
                             out_hbm.at[pl.ds(row, H), :], so)
            gather_rows(in_v, out_v, H, H)
            pltpu.async_copy(out_v.at[pl.ds(H, H), :],
                             out_hbm.at[pl.ds(row + H, H), :], so)

        def wait_flush(out_v, row, so):
            pltpu.make_async_copy(out_v.at[pl.ds(0, H), :],
                                  out_hbm.at[pl.ds(row, H), :], so).wait()
            pltpu.make_async_copy(out_v.at[pl.ds(H, H), :],
                                  out_hbm.at[pl.ds(row + H, H), :],
                                  so).wait()

        pltpu.async_copy(x_hbm.at[pl.ds(base, CH), :], in0, si0)

        def pair_body(p, carry):
            row_a = base + (2 * p) * CH
            row_b = row_a + CH
            pltpu.async_copy(x_hbm.at[pl.ds(row_b, CH), :], in1, si1)

            pltpu.make_async_copy(x_hbm.at[pl.ds(row_a, CH), :], in0,
                                  si0).wait()

            @pl.when(p > 0)
            def _():
                wait_flush(out0, row_a - 2 * CH, so0)

            gather_and_flush(in0, out0, row_a, so0)

            @pl.when(p + 1 < NPAIR)
            def _():
                pltpu.async_copy(x_hbm.at[pl.ds(row_b + CH, CH), :], in0,
                                 si0)

            pltpu.make_async_copy(x_hbm.at[pl.ds(row_b, CH), :], in1,
                                  si1).wait()

            @pl.when(p > 0)
            def _():
                wait_flush(out1, row_b - 2 * CH, so1)

            gather_and_flush(in1, out1, row_b, so1)
            return carry

        lax.fori_loop(0, NPAIR, pair_body, 0, unroll=False)

        last = base + (NCHUNK - 1) * CH
        wait_flush(out0, last - CH, so0)
        wait_flush(out1, last, so1)

    return k(x2d, idx)


def kernel(x, idx):
    x2d = x.reshape(ROWS, F)
    out2d = _sc_gather(x2d, idx.astype(jnp.int32))
    return out2d.reshape(x.shape)

# --- scband reference (transcript-rebuilt; emitter-appended) ---
"""Pipeline reference for scband-invertable-shuffle-layer-8040178778325 (READ-ONLY COPY).

The authoritative reference and input builder live on the scoring server;
editing this copy changes nothing except your own understanding.
"""

import jax, jax.numpy as jnp
import numpy as np


def setup_inputs(seed: int = 0) -> dict:
    key = jax.random.key(seed)
    k1, k2 = jax.random.split(key)
    x = jax.random.normal(k1, (2, 8192, 2048), dtype=jnp.float32)
    # The torch module lazily creates a random permutation of the feature dim
    # on first forward and stores it as internal state. We materialize it here.
    idx = jax.random.permutation(k2, 2048)
    return {"x": x, "idx": idx}


def reference(x, idx):
    # Equivalent of torch: x[..., self.idx] -- gather along last (feature) dim.
    return jnp.take(x, idx, axis=-1)

if __name__ == "__main__":
    import jax
    _d = setup_inputs()
    print(jax.jit(kernel)(*tuple(_d.values())))

</pallas_src>

<mosaic_0001>
#map = affine_map<(d0, d1) -> (0, 0)>
#map1 = affine_map<(d0, d1) -> (0)>
module attributes {stable_mosaic.version = 14 : i64} {
  func.func @k(%arg0: i32, %arg1: i32, %arg2: memref<16384x2048xf32, #tpu.memory_space<hbm>>, %arg3: memref<2048xi32, #tpu.memory_space<hbm>>, %arg4: memref<16384x2048xf32, #tpu.memory_space<hbm>>, %arg5: memref<2048xi32, #tpu.memory_space<vmem>>, %arg6: memref<8x2048xf32, #tpu.memory_space<vmem>>, %arg7: memref<8x2048xf32, #tpu.memory_space<vmem>>, %arg8: memref<8x2048xf32, #tpu.memory_space<vmem>>, %arg9: memref<8x2048xf32, #tpu.memory_space<vmem>>, %arg10: memref<!tpu.dma_semaphore, #tpu.memory_space<semaphore_mem>>, %arg11: memref<!tpu.dma_semaphore, #tpu.memory_space<semaphore_mem>>, %arg12: memref<!tpu.dma_semaphore, #tpu.memory_space<semaphore_mem>>, %arg13: memref<!tpu.dma_semaphore, #tpu.memory_space<semaphore_mem>>) attributes {dimension_semantics = [#tpu.dimension_semantics<core_parallel>, #tpu.dimension_semantics<subcore_parallel>], iteration_bounds = array<i64: 2, 16>, scalar_prefetch = 0 : i64, scratch_operands = 9 : i64, tpu.core_type = #tpu.core_type<sc_vector_subcore>, window_params = [{transform_indices = #map}, {transform_indices = #map1}, {transform_indices = #map}]} {
    %mul3A = arith.constant 2 : i32
    %mul3A_0 = arith.muli %arg1, %mul3A : i32
    %add3A = arith.addi %mul3A_0, %arg0 : i32
    %mul3A_1 = arith.constant 512 : i32
    %mul3A_2 = arith.muli %add3A, %mul3A_1 : i32
    "tpu.region"() ({
      %run_scoped3A = tpu.sem_alloc : memref<!tpu.dma_semaphore, #tpu.memory_space<semaphore_mem>>
      tpu.enqueue_dma source(%arg3 : memref<2048xi32, #tpu.memory_space<hbm>>) target(%arg5 : memref<2048xi32, #tpu.memory_space<vmem>>) target_semaphore(%run_scoped3A : memref<!tpu.dma_semaphore, #tpu.memory_space<semaphore_mem>>)
      tpu.wait_dma2 semaphore(%run_scoped3A : memref<!tpu.dma_semaphore, #tpu.memory_space<semaphore_mem>>) src(%arg3 : memref<2048xi32, #tpu.memory_space<hbm>>) dst(%arg5 : memref<2048xi32, #tpu.memory_space<vmem>>)
      tpu.yield
    }) : () -> ()
    %broadcast_in_dim3A = arith.constant 0 : i32
    %broadcast_in_dim3A_3 = vector.broadcast %broadcast_in_dim3A : i32 to vector<16xi32>
    %broadcast_in_dim3A_4 = arith.constant 1 : i32
    %broadcast_in_dim3A_5 = vector.broadcast %broadcast_in_dim3A_4 : i32 to vector<16xi32>
    %broadcast_in_dim3A_6 = arith.constant 2 : i32
    %broadcast_in_dim3A_7 = vector.broadcast %broadcast_in_dim3A_6 : i32 to vector<16xi32>
    %broadcast_in_dim3A_8 = arith.constant 3 : i32
    %broadcast_in_dim3A_9 = vector.broadcast %broadcast_in_dim3A_8 : i32 to vector<16xi32>
    %broadcast_in_dim3A_10 = arith.constant 4 : i32
    %broadcast_in_dim3A_11 = vector.broadcast %broadcast_in_dim3A_10 : i32 to vector<16xi32>
    %broadcast_in_dim3A_12 = arith.constant 5 : i32
    %broadcast_in_dim3A_13 = vector.broadcast %broadcast_in_dim3A_12 : i32 to vector<16xi32>
    %broadcast_in_dim3A_14 = arith.constant 6 : i32
    %broadcast_in_dim3A_15 = vector.broadcast %broadcast_in_dim3A_14 : i32 to vector<16xi32>
    %broadcast_in_dim3A_16 = arith.constant 7 : i32
    %broadcast_in_dim3A_17 = vector.broadcast %broadcast_in_dim3A_16 : i32 to vector<16xi32>
    %dma_start3A = arith.constant 0 : i32
    %dma_start3A_18 = tpu.memref_slice %arg2[%mul3A_2, %dma_start3A] : memref<16384x2048xf32, #tpu.memory_space<hbm>> -> memref<8x2048xf32, #tpu.memory_space<hbm>>
    %dma_start3A_19 = arith.constant 0 : i32
    %dma_start3A_20 = tpu.memref_slice %arg2[%mul3A_2, %dma_start3A_19] : memref<16384x2048xf32, #tpu.memory_space<hbm>> -> memref<8x2048xf32, #tpu.memory_space<hbm>>
    tpu.enqueue_dma source(%dma_start3A_20 : memref<8x2048xf32, #tpu.memory_space<hbm>>) target(%arg6 : memref<8x2048xf32, #tpu.memory_space<vmem>>) target_semaphore(%arg10 : memref<!tpu.dma_semaphore, #tpu.memory_space<semaphore_mem>>)
    %scan3A = arith.constant 0 : i32
    %scan3A_21 = arith.constant 0 : i32
    %scan3A_22 = arith.constant 32 : i32
    %scan3A_23 = arith.addi %scan3A_21, %scan3A_22 : i32
    %scan3A_24 = arith.constant 1 : i32
    scf.for %scan3A_72 = %scan3A_21 to %scan3A_23 step %scan3A_24  : i32 {
      %mul3A_73 = arith.constant 2 : i32
      %mul3A_74 = arith.muli %mul3A_73, %scan3A_72 : i32
      %mul3A_75 = arith.constant 8 : i32
      %mul3A_76 = arith.muli %mul3A_74, %mul3A_75 : i32
      %add3A_77 = arith.addi %mul3A_2, %mul3A_76 : i32
      %add3A_78 = arith.constant 8 : i32
      %add3A_79 = arith.addi %add3A_77, %add3A_78 : i32
      %dma_start3A_80 = arith.constant 0 : i32
      %dma_start3A_81 = tpu.memref_slice %arg2[%add3A_79, %dma_start3A_80] : memref<16384x2048xf32, #tpu.memory_space<hbm>> -> memref<8x2048xf32, #tpu.memory_space<hbm>>
      %dma_start3A_82 = arith.constant 0 : i32
      %dma_start3A_83 = tpu.memref_slice %arg2[%add3A_79, %dma_start3A_82] : memref<16384x2048xf32, #tpu.memory_space<hbm>> -> memref<8x2048xf32, #tpu.memory_space<hbm>>
      tpu.enqueue_dma source(%dma_start3A_83 : memref<8x2048xf32, #tpu.memory_space<hbm>>) target(%arg7 : memref<8x2048xf32, #tpu.memory_space<vmem>>) target_semaphore(%arg11 : memref<!tpu.dma_semaphore, #tpu.memory_space<semaphore_mem>>)
      %dma_wait3A_84 = arith.constant 0 : i32
      %dma_wait3A_85 = tpu.memref_slice %arg2[%add3A_77, %dma_wait3A_84] : memref<16384x2048xf32, #tpu.memory_space<hbm>> -> memref<8x2048xf32, #tpu.memory_space<hbm>>
      %dma_wait3A_86 = arith.constant 0 : i32
      %dma_wait3A_87 = tpu.memref_slice %arg2[%add3A_77, %dma_wait3A_86] : memref<16384x2048xf32, #tpu.memory_space<hbm>> -> memref<8x2048xf32, #tpu.memory_space<hbm>>
      tpu.wait_dma2 semaphore(%arg10 : memref<!tpu.dma_semaphore, #tpu.memory_space<semaphore_mem>>) src(%dma_wait3A_87 : memref<8x2048xf32, #tpu.memory_space<hbm>>) dst(%arg6 : memref<8x2048xf32, #tpu.memory_space<vmem>>)
      %gt3A = arith.constant 0 : i32
      %gt3A_88 = arith.cmpi sgt, %scan3A_72, %gt3A : i32
      %convert_element_type3A = arith.extui %gt3A_88 : i1 to i32
      %cond3A = arith.constant 0 : i32
      %cond3A_89 = arith.cmpi ne, %convert_element_type3A, %cond3A : i32
      scf.if %cond3A_89 {
        %sub3A_160 = arith.constant 16 : i32
        %sub3A_161 = arith.subi %add3A_77, %sub3A_160 : i32
        %dma_wait3A_162 = arith.constant 0 : i32
        %dma_wait3A_163 = arith.constant 0 : i32
        %dma_wait3A_164 = tpu.memref_slice %arg8[%dma_wait3A_162, %dma_wait3A_163] : memref<8x2048xf32, #tpu.memory_space<vmem>> -> memref<4x2048xf32, #tpu.memory_space<vmem>>
        %dma_wait3A_165 = arith.constant 0 : i32
        %dma_wait3A_166 = tpu.memref_slice %arg4[%sub3A_161, %dma_wait3A_165] : memref<16384x2048xf32, #tpu.memory_space<hbm>> -> memref<4x2048xf32, #tpu.memory_space<hbm>>
        %dma_wait3A_167 = arith.constant 0 : i32
        %dma_wait3A_168 = tpu.memref_slice %arg4[%sub3A_161, %dma_wait3A_167] : memref<16384x2048xf32, #tpu.memory_space<hbm>> -> memref<4x2048xf32, #tpu.memory_space<hbm>>
        %dma_wait3A_169 = arith.constant 0 : i32
        %dma_wait3A_170 = arith.constant 0 : i32
        %dma_wait3A_171 = tpu.memref_slice %arg8[%dma_wait3A_169, %dma_wait3A_170] : memref<8x2048xf32, #tpu.memory_space<vmem>> -> memref<4x2048xf32, #tpu.memory_space<vmem>>
        tpu.wait_dma2 semaphore(%arg12 : memref<!tpu.dma_semaphore, #tpu.memory_space<semaphore_mem>>) src(%dma_wait3A_171 : memref<4x2048xf32, #tpu.memory_space<vmem>>) dst(%dma_wait3A_168 : memref<4x2048xf32, #tpu.memory_space<hbm>>)
        %add3A_172 = arith.constant 4 : i32
        %add3A_173 = arith.addi %sub3A_161, %add3A_172 : i32
        %dma_wait3A_174 = arith.constant 4 : i32
        %dma_wait3A_175 = arith.constant 0 : i32
        %dma_wait3A_176 = tpu.memref_slice %arg8[%dma_wait3A_174, %dma_wait3A_175] : memref<8x2048xf32, #tpu.memory_space<vmem>> -> memref<4x2048xf32, #tpu.memory_space<vmem>>
        %dma_wait3A_177 = arith.constant 0 : i32
        %dma_wait3A_178 = tpu.memref_slice %arg4[%add3A_173, %dma_wait3A_177] : memref<16384x2048xf32, #tpu.memory_space<hbm>> -> memref<4x2048xf32, #tpu.memory_space<hbm>>
        %dma_wait3A_179 = arith.constant 0 : i32
        %dma_wait3A_180 = tpu.memref_slice %arg4[%add3A_173, %dma_wait3A_179] : memref<16384x2048xf32, #tpu.memory_space<hbm>> -> memref<4x2048xf32, #tpu.memory_space<hbm>>
        %dma_wait3A_181 = arith.constant 4 : i32
        %dma_wait3A_182 = arith.constant 0 : i32
        %dma_wait3A_183 = tpu.memref_slice %arg8[%dma_wait3A_181, %dma_wait3A_182] : memref<8x2048xf32, #tpu.memory_space<vmem>> -> memref<4x2048xf32, #tpu.memory_space<vmem>>
        tpu.wait_dma2 semaphore(%arg12 : memref<!tpu.dma_semaphore, #tpu.memory_space<semaphore_mem>>) src(%dma_wait3A_183 : memref<4x2048xf32, #tpu.memory_space<vmem>>) dst(%dma_wait3A_180 : memref<4x2048xf32, #tpu.memory_space<hbm>>)
      } else {
      }
      %parallel_loop3A = arith.constant 0 : i32
      %parallel_loop3A_90 = arith.constant 2048 : i32
      %parallel_loop3A_91 = arith.constant 16 : i32
      scf.for %parallel_loop3A_160 = %parallel_loop3A to %parallel_loop3A_90 step %parallel_loop3A_91  : i32 {
        %parallel_loop3A_161 = arith.index_cast %parallel_loop3A_160 : i32 to index
        %parallel_loop3A_162 = tpu.vector_load %arg5[%parallel_loop3A_161] {strides = array<i32>} : memref<2048xi32, #tpu.memory_space<vmem>>, vector<16xi32>,
        %parallel_loop3A_163 = tpu.vector_load_idx %arg6[%broadcast_in_dim3A_3, %parallel_loop3A_162] : memref<8x2048xf32, #tpu.memory_space<vmem>>[vector<16xi32>, vector<16xi32>], vector<16xf32>,
        %parallel_loop3A_164 = arith.constant 0 : i32
        %parallel_loop3A_165 = arith.index_cast %parallel_loop3A_164 : i32 to index
        %parallel_loop3A_166 = arith.index_cast %parallel_loop3A_160 : i32 to index
        %parallel_loop3A_167 = tpu.vector_load %arg8[%parallel_loop3A_165, %parallel_loop3A_166] {strides = array<i32>} : memref<8x2048xf32, #tpu.memory_space<vmem>>, vector<16xf32>,
        tpu.vector_store %arg8[%parallel_loop3A_165, %parallel_loop3A_166], %parallel_loop3A_163 {strides = array<i32>} : memref<8x2048xf32, #tpu.memory_space<vmem>>, vector<16xf32>,
        %parallel_loop3A_168 = tpu.vector_load_idx %arg6[%broadcast_in_dim3A_5, %parallel_loop3A_162] : memref<8x2048xf32, #tpu.memory_space<vmem>>[vector<16xi32>, vector<16xi32>], vector<16xf32>,
        %parallel_loop3A_169 = arith.constant 1 : i32
        %parallel_loop3A_170 = arith.index_cast %parallel_loop3A_169 : i32 to index
        %parallel_loop3A_171 = arith.index_cast %parallel_loop3A_160 : i32 to index
        %parallel_loop3A_172 = tpu.vector_load %arg8[%parallel_loop3A_170, %parallel_loop3A_171] {strides = array<i32>} : memref<8x2048xf32, #tpu.memory_space<vmem>>, vector<16xf32>,
        tpu.vector_store %arg8[%parallel_loop3A_170, %parallel_loop3A_171], %parallel_loop3A_168 {strides = array<i32>} : memref<8x2048xf32, #tpu.memory_space<vmem>>, vector<16xf32>,
        %parallel_loop3A_173 = tpu.vector_load_idx %arg6[%broadcast_in_dim3A_7, %parallel_loop3A_162] : memref<8x2048xf32, #tpu.memory_space<vmem>>[vector<16xi32>, vector<16xi32>], vector<16xf32>,
        %parallel_loop3A_174 = arith.constant 2 : i32
        %parallel_loop3A_175 = arith.index_cast %parallel_loop3A_174 : i32 to index
        %parallel_loop3A_176 = arith.index_cast %parallel_loop3A_160 : i32 to index
        %parallel_loop3A_177 = tpu.vector_load %arg8[%parallel_loop3A_175, %parallel_loop3A_176] {strides = array<i32>} : memref<8x2048xf32, #tpu.memory_space<vmem>>, vector<16xf32>,
        tpu.vector_store %arg8[%parallel_loop3A_175, %parallel_loop3A_176], %parallel_loop3A_173 {strides = array<i32>} : memref<8x2048xf32, #tpu.memory_space<vmem>>, vector<16xf32>,
        %parallel_loop3A_178 = tpu.vector_load_idx %arg6[%broadcast_in_dim3A_9, %parallel_loop3A_162] : memref<8x2048xf32, #tpu.memory_space<vmem>>[vector<16xi32>, vector<16xi32>], vector<16xf32>,
        %parallel_loop3A_179 = arith.constant 3 : i32
        %parallel_loop3A_180 = arith.index_cast %parallel_loop3A_179 : i32 to index
        %parallel_loop3A_181 = arith.index_cast %parallel_loop3A_160 : i32 to index
        %parallel_loop3A_182 = tpu.vector_load %arg8[%parallel_loop3A_180, %parallel_loop3A_181] {strides = array<i32>} : memref<8x2048xf32, #tpu.memory_space<vmem>>, vector<16xf32>,
        tpu.vector_store %arg8[%parallel_loop3A_180, %parallel_loop3A_181], %parallel_loop3A_178 {strides = array<i32>} : memref<8x2048xf32, #tpu.memory_space<vmem>>, vector<16xf32>,
      } {sc.loop_unroll_factor = 4 : i64, sc.parallel_access}
      %dma_start3A_92 = arith.constant 0 : i32
      %dma_start3A_93 = arith.constant 0 : i32
      %dma_start3A_94 = tpu.memref_slice %arg8[%dma_start3A_92, %dma_start3A_93] : memref<8x2048xf32, #tpu.memory_space<vmem>> -> memref<4x2048xf32, #tpu.memory_space<vmem>>
      %dma_start3A_95 = arith.constant 0 : i32
      %dma_start3A_96 = tpu.memref_slice %arg4[%add3A_77, %dma_start3A_95] : memref<16384x2048xf32, #tpu.memory_space<hbm>> -> memref<4x2048xf32, #tpu.memory_space<hbm>>
      %dma_start3A_97 = arith.constant 0 : i32
      %dma_start3A_98 = tpu.memref_slice %arg4[%add3A_77, %dma_start3A_97] : memref<16384x2048xf32, #tpu.memory_space<hbm>> -> memref<4x2048xf32, #tpu.memory_space<hbm>>
      %dma_start3A_99 = arith.constant 0 : i32
      %dma_start3A_100 = arith.constant 0 : i32
      %dma_start3A_101 = tpu.memref_slice %arg8[%dma_start3A_99, %dma_start3A_100] : memref<8x2048xf32, #tpu.memory_space<vmem>> -> memref<4x2048xf32, #tpu.memory_space<vmem>>
      tpu.enqueue_dma source(%dma_start3A_101 : memref<4x2048xf32, #tpu.memory_space<vmem>>) target(%dma_start3A_98 : memref<4x2048xf32, #tpu.memory_space<hbm>>) target_semaphore(%arg12 : memref<!tpu.dma_semaphore, #tpu.memory_space<semaphore_mem>>)
      %parallel_loop3A_102 = arith.constant 0 : i32
      %parallel_loop3A_103 = arith.constant 2048 : i32
      %parallel_loop3A_104 = arith.constant 16 : i32
      scf.for %parallel_loop3A_160 = %parallel_loop3A_102 to %parallel_loop3A_103 step %parallel_loop3A_104  : i32 {
        %parallel_loop3A_161 = arith.index_cast %parallel_loop3A_160 : i32 to index
        %parallel_loop3A_162 = tpu.vector_load %arg5[%parallel_loop3A_161] {strides = array<i32>} : memref<2048xi32, #tpu.memory_space<vmem>>, vector<16xi32>,
        %parallel_loop3A_163 = tpu.vector_load_idx %arg6[%broadcast_in_dim3A_11, %parallel_loop3A_162] : memref<8x2048xf32, #tpu.memory_space<vmem>>[vector<16xi32>, vector<16xi32>], vector<16xf32>,
        %parallel_loop3A_164 = arith.constant 4 : i32
        %parallel_loop3A_165 = arith.index_cast %parallel_loop3A_164 : i32 to index
        %parallel_loop3A_166 = arith.index_cast %parallel_loop3A_160 : i32 to index
        %parallel_loop3A_167 = tpu.vector_load %arg8[%parallel_loop3A_165, %parallel_loop3A_166] {strides = array<i32>} : memref<8x2048xf32, #tpu.memory_space<vmem>>, vector<16xf32>,
        tpu.vector_store %arg8[%parallel_loop3A_165, %parallel_loop3A_166], %parallel_loop3A_163 {strides = array<i32>} : memref<8x2048xf32, #tpu.memory_space<vmem>>, vector<16xf32>,
        %parallel_loop3A_168 = tpu.vector_load_idx %arg6[%broadcast_in_dim3A_13, %parallel_loop3A_162] : memref<8x2048xf32, #tpu.memory_space<vmem>>[vector<16xi32>, vector<16xi32>], vector<16xf32>,
        %parallel_loop3A_169 = arith.constant 5 : i32
        %parallel_loop3A_170 = arith.index_cast %parallel_loop3A_169 : i32 to index
        %parallel_loop3A_171 = arith.index_cast %parallel_loop3A_160 : i32 to index
        %parallel_loop3A_172 = tpu.vector_load %arg8[%parallel_loop3A_170, %parallel_loop3A_171] {strides = array<i32>} : memref<8x2048xf32, #tpu.memory_space<vmem>>, vector<16xf32>,
        tpu.vector_store %arg8[%parallel_loop3A_170, %parallel_loop3A_171], %parallel_loop3A_168 {strides = array<i32>} : memref<8x2048xf32, #tpu.memory_space<vmem>>, vector<16xf32>,
        %parallel_loop3A_173 = tpu.vector_load_idx %arg6[%broadcast_in_dim3A_15, %parallel_loop3A_162] : memref<8x2048xf32, #tpu.memory_space<vmem>>[vector<16xi32>, vector<16xi32>], vector<16xf32>,
        %parallel_loop3A_174 = arith.constant 6 : i32
        %parallel_loop3A_175 = arith.index_cast %parallel_loop3A_174 : i32 to index
        %parallel_loop3A_176 = arith.index_cast %parallel_loop3A_160 : i32 to index
        %parallel_loop3A_177 = tpu.vector_load %arg8[%parallel_loop3A_175, %parallel_loop3A_176] {strides = array<i32>} : memref<8x2048xf32, #tpu.memory_space<vmem>>, vector<16xf32>,
        tpu.vector_store %arg8[%parallel_loop3A_175, %parallel_loop3A_176], %parallel_loop3A_173 {strides = array<i32>} : memref<8x2048xf32, #tpu.memory_space<vmem>>, vector<16xf32>,
        %parallel_loop3A_178 = tpu.vector_load_idx %arg6[%broadcast_in_dim3A_17, %parallel_loop3A_162] : memref<8x2048xf32, #tpu.memory_space<vmem>>[vector<16xi32>, vector<16xi32>], vector<16xf32>,
        %parallel_loop3A_179 = arith.constant 7 : i32
        %parallel_loop3A_180 = arith.index_cast %parallel_loop3A_179 : i32 to index
        %parallel_loop3A_181 = arith.index_cast %parallel_loop3A_160 : i32 to index
        %parallel_loop3A_182 = tpu.vector_load %arg8[%parallel_loop3A_180, %parallel_loop3A_181] {strides = array<i32>} : memref<8x2048xf32, #tpu.memory_space<vmem>>, vector<16xf32>,
        tpu.vector_store %arg8[%parallel_loop3A_180, %parallel_loop3A_181], %parallel_loop3A_178 {strides = array<i32>} : memref<8x2048xf32, #tpu.memory_space<vmem>>, vector<16xf32>,
      } {sc.loop_unroll_factor = 4 : i64, sc.parallel_access}
      %add3A_105 = arith.constant 4 : i32
      %add3A_106 = arith.addi %add3A_77, %add3A_105 : i32
      %dma_start3A_107 = arith.constant 4 : i32
      %dma_start3A_108 = arith.constant 0 : i32
      %dma_start3A_109 = tpu.memref_slice %arg8[%dma_start3A_107, %dma_start3A_108] : memref<8x2048xf32, #tpu.memory_space<vmem>> -> memref<4x2048xf32, #tpu.memory_space<vmem>>
      %dma_start3A_110 = arith.constant 0 : i32
      %dma_start3A_111 = tpu.memref_slice %arg4[%add3A_106, %dma_start3A_110] : memref<16384x2048xf32, #tpu.memory_space<hbm>> -> memref<4x2048xf32, #tpu.memory_space<hbm>>
      %dma_start3A_112 = arith.constant 0 : i32
      %dma_start3A_113 = tpu.memref_slice %arg4[%add3A_106, %dma_start3A_112] : memref<16384x2048xf32, #tpu.memory_space<hbm>> -> memref<4x2048xf32, #tpu.memory_space<hbm>>
      %dma_start3A_114 = arith.constant 4 : i32
      %dma_start3A_115 = arith.constant 0 : i32
      %dma_start3A_116 = tpu.memref_slice %arg8[%dma_start3A_114, %dma_start3A_115] : memref<8x2048xf32, #tpu.memory_space<vmem>> -> memref<4x2048xf32, #tpu.memory_space<vmem>>
      tpu.enqueue_dma source(%dma_start3A_116 : memref<4x2048xf32, #tpu.memory_space<vmem>>) target(%dma_start3A_113 : memref<4x2048xf32, #tpu.memory_space<hbm>>) target_semaphore(%arg12 : memref<!tpu.dma_semaphore, #tpu.memory_space<semaphore_mem>>)
      %add3A_117 = arith.constant 1 : i32
      %add3A_118 = arith.addi %scan3A_72, %add3A_117 : i32
      %lt3A = arith.constant 32 : i32
      %lt3A_119 = arith.cmpi slt, %add3A_118, %lt3A : i32
      %convert_element_type3A_120 = arith.extui %lt3A_119 : i1 to i32
      %cond3A_121 = arith.constant 0 : i32
      %cond3A_122 = arith.cmpi ne, %convert_element_type3A_120, %cond3A_121 : i32
      scf.if %cond3A_122 {
        %add3A_160 = arith.constant 8 : i32
        %add3A_161 = arith.addi %add3A_79, %add3A_160 : i32
        %dma_start3A_162 = arith.constant 0 : i32
        %dma_start3A_163 = tpu.memref_slice %arg2[%add3A_161, %dma_start3A_162] : memref<16384x2048xf32, #tpu.memory_space<hbm>> -> memref<8x2048xf32, #tpu.memory_space<hbm>>
        %dma_start3A_164 = arith.constant 0 : i32
        %dma_start3A_165 = tpu.memref_slice %arg2[%add3A_161, %dma_start3A_164] : memref<16384x2048xf32, #tpu.memory_space<hbm>> -> memref<8x2048xf32, #tpu.memory_space<hbm>>
        tpu.enqueue_dma source(%dma_start3A_165 : memref<8x2048xf32, #tpu.memory_space<hbm>>) target(%arg6 : memref<8x2048xf32, #tpu.memory_space<vmem>>) target_semaphore(%arg10 : memref<!tpu.dma_semaphore, #tpu.memory_space<semaphore_mem>>)
      } else {
      }
      %dma_wait3A_123 = arith.constant 0 : i32
      %dma_wait3A_124 = tpu.memref_slice %arg2[%add3A_79, %dma_wait3A_123] : memref<16384x2048xf32, #tpu.memory_space<hbm>> -> memref<8x2048xf32, #tpu.memory_space<hbm>>
      %dma_wait3A_125 = arith.constant 0 : i32
      %dma_wait3A_126 = tpu.memref_slice %arg2[%add3A_79, %dma_wait3A_125] : memref<16384x2048xf32, #tpu.memory_space<hbm>> -> memref<8x2048xf32, #tpu.memory_space<hbm>>
      tpu.wait_dma2 semaphore(%arg11 : memref<!tpu.dma_semaphore, #tpu.memory_space<semaphore_mem>>) src(%dma_wait3A_126 : memref<8x2048xf32, #tpu.memory_space<hbm>>) dst(%arg7 : memref<8x2048xf32, #tpu.memory_space<vmem>>)
      %gt3A_127 = arith.constant 0 : i32
      %gt3A_128 = arith.cmpi sgt, %scan3A_72, %gt3A_127 : i32
      %convert_element_type3A_129 = arith.extui %gt3A_128 : i1 to i32
      %cond3A_130 = arith.constant 0 : i32
      %cond3A_131 = arith.cmpi ne, %convert_element_type3A_129, %cond3A_130 : i32
      scf.if %cond3A_131 {
        %sub3A_160 = arith.constant 16 : i32
        %sub3A_161 = arith.subi %add3A_79, %sub3A_160 : i32
        %dma_wait3A_162 = arith.constant 0 : i32
        %dma_wait3A_163 = arith.constant 0 : i32
        %dma_wait3A_164 = tpu.memref_slice %arg9[%dma_wait3A_162, %dma_wait3A_163] : memref<8x2048xf32, #tpu.memory_space<vmem>> -> memref<4x2048xf32, #tpu.memory_space<vmem>>
        %dma_wait3A_165 = arith.constant 0 : i32
        %dma_wait3A_166 = tpu.memref_slice %arg4[%sub3A_161, %dma_wait3A_165] : memref<16384x2048xf32, #tpu.memory_space<hbm>> -> memref<4x2048xf32, #tpu.memory_space<hbm>>
        %dma_wait3A_167 = arith.constant 0 : i32
        %dma_wait3A_168 = tpu.memref_slice %arg4[%sub3A_161, %dma_wait3A_167] : memref<16384x2048xf32, #tpu.memory_space<hbm>> -> memref<4x2048xf32, #tpu.memory_space<hbm>>
        %dma_wait3A_169 = arith.constant 0 : i32
        %dma_wait3A_170 = arith.constant 0 : i32
        %dma_wait3A_171 = tpu.memref_slice %arg9[%dma_wait3A_169, %dma_wait3A_170] : memref<8x2048xf32, #tpu.memory_space<vmem>> -> memref<4x2048xf32, #tpu.memory_space<vmem>>
        tpu.wait_dma2 semaphore(%arg13 : memref<!tpu.dma_semaphore, #tpu.memory_space<semaphore_mem>>) src(%dma_wait3A_171 : memref<4x2048xf32, #tpu.memory_space<vmem>>) dst(%dma_wait3A_168 : memref<4x2048xf32, #tpu.memory_space<hbm>>)
        %add3A_172 = arith.constant 4 : i32
        %add3A_173 = arith.addi %sub3A_161, %add3A_172 : i32
        %dma_wait3A_174 = arith.constant 4 : i32
        %dma_wait3A_175 = arith.constant 0 : i32
        %dma_wait3A_176 = tpu.memref_slice %arg9[%dma_wait3A_174, %dma_wait3A_175] : memref<8x2048xf32, #tpu.memory_space<vmem>> -> memref<4x2048xf32, #tpu.memory_space<vmem>>
        %dma_wait3A_177 = arith.constant 0 : i32
        %dma_wait3A_178 = tpu.memref_slice %arg4[%add3A_173, %dma_wait3A_177] : memref<16384x2048xf32, #tpu.memory_space<hbm>> -> memref<4x2048xf32, #tpu.memory_space<hbm>>
        %dma_wait3A_179 = arith.constant 0 : i32
        %dma_wait3A_180 = tpu.memref_slice %arg4[%add3A_173, %dma_wait3A_179] : memref<16384x2048xf32, #tpu.memory_space<hbm>> -> memref<4x2048xf32, #tpu.memory_space<hbm>>
        %dma_wait3A_181 = arith.constant 4 : i32
        %dma_wait3A_182 = arith.constant 0 : i32
        %dma_wait3A_183 = tpu.memref_slice %arg9[%dma_wait3A_181, %dma_wait3A_182] : memref<8x2048xf32, #tpu.memory_space<vmem>> -> memref<4x2048xf32, #tpu.memory_space<vmem>>
        tpu.wait_dma2 semaphore(%arg13 : memref<!tpu.dma_semaphore, #tpu.memory_space<semaphore_mem>>) src(%dma_wait3A_183 : memref<4x2048xf32, #tpu.memory_space<vmem>>) dst(%dma_wait3A_180 : memref<4x2048xf32, #tpu.memory_space<hbm>>)
      } else {
      }
      %parallel_loop3A_132 = arith.constant 0 : i32
      %parallel_loop3A_133 = arith.constant 2048 : i32
      %parallel_loop3A_134 = arith.constant 16 : i32
      scf.for %parallel_loop3A_160 = %parallel_loop3A_132 to %parallel_loop3A_133 step %parallel_loop3A_134  : i32 {
        %parallel_loop3A_161 = arith.index_cast %parallel_loop3A_160 : i32 to index
        %parallel_loop3A_162 = tpu.vector_load %arg5[%parallel_loop3A_161] {strides = array<i32>} : memref<2048xi32, #tpu.memory_space<vmem>>, vector<16xi32>,
        %parallel_loop3A_163 = tpu.vector_load_idx %arg7[%broadcast_in_dim3A_3, %parallel_loop3A_162] : memref<8x2048xf32, #tpu.memory_space<vmem>>[vector<16xi32>, vector<16xi32>], vector<16xf32>,
        %parallel_loop3A_164 = arith.constant 0 : i32
        %parallel_loop3A_165 = arith.index_cast %parallel_loop3A_164 : i32 to index
        %parallel_loop3A_166 = arith.index_cast %parallel_loop3A_160 : i32 to index
        %parallel_loop3A_167 = tpu.vector_load %arg9[%parallel_loop3A_165, %parallel_loop3A_166] {strides = array<i32>} : memref<8x2048xf32, #tpu.memory_space<vmem>>, vector<16xf32>,
        tpu.vector_store %arg9[%parallel_loop3A_165, %parallel_loop3A_166], %parallel_loop3A_163 {strides = array<i32>} : memref<8x2048xf32, #tpu.memory_space<vmem>>, vector<16xf32>,
        %parallel_loop3A_168 = tpu.vector_load_idx %arg7[%broadcast_in_dim3A_5, %parallel_loop3A_162] : memref<8x2048xf32, #tpu.memory_space<vmem>>[vector<16xi32>, vector<16xi32>], vector<16xf32>,
        %parallel_loop3A_169 = arith.constant 1 : i32
        %parallel_loop3A_170 = arith.index_cast %parallel_loop3A_169 : i32 to index
        %parallel_loop3A_171 = arith.index_cast %parallel_loop3A_160 : i32 to index
        %parallel_loop3A_172 = tpu.vector_load %arg9[%parallel_loop3A_170, %parallel_loop3A_171] {strides = array<i32>} : memref<8x2048xf32, #tpu.memory_space<vmem>>, vector<16xf32>,
        tpu.vector_store %arg9[%parallel_loop3A_170, %parallel_loop3A_171], %parallel_loop3A_168 {strides = array<i32>} : memref<8x2048xf32, #tpu.memory_space<vmem>>, vector<16xf32>,
        %parallel_loop3A_173 = tpu.vector_load_idx %arg7[%broadcast_in_dim3A_7, %parallel_loop3A_162] : memref<8x2048xf32, #tpu.memory_space<vmem>>[vector<16xi32>, vector<16xi32>], vector<16xf32>,
        %parallel_loop3A_174 = arith.constant 2 : i32
        %parallel_loop3A_175 = arith.index_cast %parallel_loop3A_174 : i32 to index
        %parallel_loop3A_176 = arith.index_cast %parallel_loop3A_160 : i32 to index
        %parallel_loop3A_177 = tpu.vector_load %arg9[%parallel_loop3A_175, %parallel_loop3A_176] {strides = array<i32>} : memref<8x2048xf32, #tpu.memory_space<vmem>>, vector<16xf32>,
        tpu.vector_store %arg9[%parallel_loop3A_175, %parallel_loop3A_176], %parallel_loop3A_173 {strides = array<i32>} : memref<8x2048xf32, #tpu.memory_space<vmem>>, vector<16xf32>,
        %parallel_loop3A_178 = tpu.vector_load_idx %arg7[%broadcast_in_dim3A_9, %parallel_loop3A_162] : memref<8x2048xf32, #tpu.memory_space<vmem>>[vector<16xi32>, vector<16xi32>], vector<16xf32>,
        %parallel_loop3A_179 = arith.constant 3 : i32
        %parallel_loop3A_180 = arith.index_cast %parallel_loop3A_179 : i32 to index
        %parallel_loop3A_181 = arith.index_cast %parallel_loop3A_160 : i32 to index
        %parallel_loop3A_182 = tpu.vector_load %arg9[%parallel_loop3A_180, %parallel_loop3A_181] {strides = array<i32>} : memref<8x2048xf32, #tpu.memory_space<vmem>>, vector<16xf32>,
        tpu.vector_store %arg9[%parallel_loop3A_180, %parallel_loop3A_181], %parallel_loop3A_178 {strides = array<i32>} : memref<8x2048xf32, #tpu.memory_space<vmem>>, vector<16xf32>,
      } {sc.loop_unroll_factor = 4 : i64, sc.parallel_access}
      %dma_start3A_135 = arith.constant 0 : i32
      %dma_start3A_136 = arith.constant 0 : i32
      %dma_start3A_137 = tpu.memref_slice %arg9[%dma_start3A_135, %dma_start3A_136] : memref<8x2048xf32, #tpu.memory_space<vmem>> -> memref<4x2048xf32, #tpu.memory_space<vmem>>
      %dma_start3A_138 = arith.constant 0 : i32
      %dma_start3A_139 = tpu.memref_slice %arg4[%add3A_79, %dma_start3A_138] : memref<16384x2048xf32, #tpu.memory_space<hbm>> -> memref<4x2048xf32, #tpu.memory_space<hbm>>
      %dma_start3A_140 = arith.constant 0 : i32
      %dma_start3A_141 = tpu.memref_slice %arg4[%add3A_79, %dma_start3A_140] : memref<16384x2048xf32, #tpu.memory_space<hbm>> -> memref<4x2048xf32, #tpu.memory_space<hbm>>
      %dma_start3A_142 = arith.constant 0 : i32
      %dma_start3A_143 = arith.constant 0 : i32
      %dma_start3A_144 = tpu.memref_slice %arg9[%dma_start3A_142, %dma_start3A_143] : memref<8x2048xf32, #tpu.memory_space<vmem>> -> memref<4x2048xf32, #tpu.memory_space<vmem>>
      tpu.enqueue_dma source(%dma_start3A_144 : memref<4x2048xf32, #tpu.memory_space<vmem>>) target(%dma_start3A_141 : memref<4x2048xf32, #tpu.memory_space<hbm>>) target_semaphore(%arg13 : memref<!tpu.dma_semaphore, #tpu.memory_space<semaphore_mem>>)
      %parallel_loop3A_145 = arith.constant 0 : i32
      %parallel_loop3A_146 = arith.constant 2048 : i32
      %parallel_loop3A_147 = arith.constant 16 : i32
      scf.for %parallel_loop3A_160 = %parallel_loop3A_145 to %parallel_loop3A_146 step %parallel_loop3A_147  : i32 {
        %parallel_loop3A_161 = arith.index_cast %parallel_loop3A_160 : i32 to index
        %parallel_loop3A_162 = tpu.vector_load %arg5[%parallel_loop3A_161] {strides = array<i32>} : memref<2048xi32, #tpu.memory_space<vmem>>, vector<16xi32>,
        %parallel_loop3A_163 = tpu.vector_load_idx %arg7[%broadcast_in_dim3A_11, %parallel_loop3A_162] : memref<8x2048xf32, #tpu.memory_space<vmem>>[vector<16xi32>, vector<16xi32>], vector<16xf32>,
        %parallel_loop3A_164 = arith.constant 4 : i32
        %parallel_loop3A_165 = arith.index_cast %parallel_loop3A_164 : i32 to index
        %parallel_loop3A_166 = arith.index_cast %parallel_loop3A_160 : i32 to index
        %parallel_loop3A_167 = tpu.vector_load %arg9[%parallel_loop3A_165, %parallel_loop3A_166] {strides = array<i32>} : memref<8x2048xf32, #tpu.memory_space<vmem>>, vector<16xf32>,
        tpu.vector_store %arg9[%parallel_loop3A_165, %parallel_loop3A_166], %parallel_loop3A_163 {strides = array<i32>} : memref<8x2048xf32, #tpu.memory_space<vmem>>, vector<16xf32>,
        %parallel_loop3A_168 = tpu.vector_load_idx %arg7[%broadcast_in_dim3A_13, %parallel_loop3A_162] : memref<8x2048xf32, #tpu.memory_space<vmem>>[vector<16xi32>, vector<16xi32>], vector<16xf32>,
        %parallel_loop3A_169 = arith.constant 5 : i32
        %parallel_loop3A_170 = arith.index_cast %parallel_loop3A_169 : i32 to index
        %parallel_loop3A_171 = arith.index_cast %parallel_loop3A_160 : i32 to index
        %parallel_loop3A_172 = tpu.vector_load %arg9[%parallel_loop3A_170, %parallel_loop3A_171] {strides = array<i32>} : memref<8x2048xf32, #tpu.memory_space<vmem>>, vector<16xf32>,
        tpu.vector_store %arg9[%parallel_loop3A_170, %parallel_loop3A_171], %parallel_loop3A_168 {strides = array<i32>} : memref<8x2048xf32, #tpu.memory_space<vmem>>, vector<16xf32>,
        %parallel_loop3A_173 = tpu.vector_load_idx %arg7[%broadcast_in_dim3A_15, %parallel_loop3A_162] : memref<8x2048xf32, #tpu.memory_space<vmem>>[vector<16xi32>, vector<16xi32>], vector<16xf32>,
        %parallel_loop3A_174 = arith.constant 6 : i32
        %parallel_loop3A_175 = arith.index_cast %parallel_loop3A_174 : i32 to index
        %parallel_loop3A_176 = arith.index_cast %parallel_loop3A_160 : i32 to index
        %parallel_loop3A_177 = tpu.vector_load %arg9[%parallel_loop3A_175, %parallel_loop3A_176] {strides = array<i32>} : memref<8x2048xf32, #tpu.memory_space<vmem>>, vector<16xf32>,
        tpu.vector_store %arg9[%parallel_loop3A_175, %parallel_loop3A_176], %parallel_loop3A_173 {strides = array<i32>} : memref<8x2048xf32, #tpu.memory_space<vmem>>, vector<16xf32>,
        %parallel_loop3A_178 = tpu.vector_load_idx %arg7[%broadcast_in_dim3A_17, %parallel_loop3A_162] : memref<8x2048xf32, #tpu.memory_space<vmem>>[vector<16xi32>, vector<16xi32>], vector<16xf32>,
        %parallel_loop3A_179 = arith.constant 7 : i32
        %parallel_loop3A_180 = arith.index_cast %parallel_loop3A_179 : i32 to index
        %parallel_loop3A_181 = arith.index_cast %parallel_loop3A_160 : i32 to index
        %parallel_loop3A_182 = tpu.vector_load %arg9[%parallel_loop3A_180, %parallel_loop3A_181] {strides = array<i32>} : memref<8x2048xf32, #tpu.memory_space<vmem>>, vector<16xf32>,
        tpu.vector_store %arg9[%parallel_loop3A_180, %parallel_loop3A_181], %parallel_loop3A_178 {strides = array<i32>} : memref<8x2048xf32, #tpu.memory_space<vmem>>, vector<16xf32>,
      } {sc.loop_unroll_factor = 4 : i64, sc.parallel_access}
      %add3A_148 = arith.constant 4 : i32
      %add3A_149 = arith.addi %add3A_79, %add3A_148 : i32
      %dma_start3A_150 = arith.constant 4 : i32
      %dma_start3A_151 = arith.constant 0 : i32
      %dma_start3A_152 = tpu.memref_slice %arg9[%dma_start3A_150, %dma_start3A_151] : memref<8x2048xf32, #tpu.memory_space<vmem>> -> memref<4x2048xf32, #tpu.memory_space<vmem>>
      %dma_start3A_153 = arith.constant 0 : i32
      %dma_start3A_154 = tpu.memref_slice %arg4[%add3A_149, %dma_start3A_153] : memref<16384x2048xf32, #tpu.memory_space<hbm>> -> memref<4x2048xf32, #tpu.memory_space<hbm>>
      %dma_start3A_155 = arith.constant 0 : i32
      %dma_start3A_156 = tpu.memref_slice %arg4[%add3A_149, %dma_start3A_155] : memref<16384x2048xf32, #tpu.memory_space<hbm>> -> memref<4x2048xf32, #tpu.memory_space<hbm>>
      %dma_start3A_157 = arith.constant 4 : i32
      %dma_start3A_158 = arith.constant 0 : i32
      %dma_start3A_159 = tpu.memref_slice %arg9[%dma_start3A_157, %dma_start3A_158] : memref<8x2048xf32, #tpu.memory_space<vmem>> -> memref<4x2048xf32, #tpu.memory_space<vmem>>
      tpu.enqueue_dma source(%dma_start3A_159 : memref<4x2048xf32, #tpu.memory_space<vmem>>) target(%dma_start3A_156 : memref<4x2048xf32, #tpu.memory_space<hbm>>) target_semaphore(%arg13 : memref<!tpu.dma_semaphore, #tpu.memory_space<semaphore_mem>>)
    }
    %scan3A_25 = arith.constant 32 : i32
    %add3A_26 = arith.constant 504 : i32
    %add3A_27 = arith.addi %mul3A_2, %add3A_26 : i32
    %sub3A = arith.constant 8 : i32
    %sub3A_28 = arith.subi %add3A_27, %sub3A : i32
    %dma_wait3A = arith.constant 0 : i32
    %dma_wait3A_29 = arith.constant 0 : i32
    %dma_wait3A_30 = tpu.memref_slice %arg8[%dma_wait3A, %dma_wait3A_29] : memref<8x2048xf32, #tpu.memory_space<vmem>> -> memref<4x2048xf32, #tpu.memory_space<vmem>>
    %dma_wait3A_31 = arith.constant 0 : i32
    %dma_wait3A_32 = tpu.memref_slice %arg4[%sub3A_28, %dma_wait3A_31] : memref<16384x2048xf32, #tpu.memory_space<hbm>> -> memref<4x2048xf32, #tpu.memory_space<hbm>>
    %dma_wait3A_33 = arith.constant 0 : i32
    %dma_wait3A_34 = tpu.memref_slice %arg4[%sub3A_28, %dma_wait3A_33] : memref<16384x2048xf32, #tpu.memory_space<hbm>> -> memref<4x2048xf32, #tpu.memory_space<hbm>>
    %dma_wait3A_35 = arith.constant 0 : i32
    %dma_wait3A_36 = arith.constant 0 : i32
    %dma_wait3A_37 = tpu.memref_slice %arg8[%dma_wait3A_35, %dma_wait3A_36] : memref<8x2048xf32, #tpu.memory_space<vmem>> -> memref<4x2048xf32, #tpu.memory_space<vmem>>
    tpu.wait_dma2 semaphore(%arg12 : memref<!tpu.dma_semaphore, #tpu.memory_space<semaphore_mem>>) src(%dma_wait3A_37 : memref<4x2048xf32, #tpu.memory_space<vmem>>) dst(%dma_wait3A_34 : memref<4x2048xf32, #tpu.memory_space<hbm>>)
    %add3A_38 = arith.constant 4 : i32
    %add3A_39 = arith.addi %sub3A_28, %add3A_38 : i32
    %dma_wait3A_40 = arith.constant 4 : i32
    %dma_wait3A_41 = arith.constant 0 : i32
    %dma_wait3A_42 = tpu.memref_slice %arg8[%dma_wait3A_40, %dma_wait3A_41] : memref<8x2048xf32, #tpu.memory_space<vmem>> -> memref<4x2048xf32, #tpu.memory_space<vmem>>
    %dma_wait3A_43 = arith.constant 0 : i32
    %dma_wait3A_44 = tpu.memref_slice %arg4[%add3A_39, %dma_wait3A_43] : memref<16384x2048xf32, #tpu.memory_space<hbm>> -> memref<4x2048xf32, #tpu.memory_space<hbm>>
    %dma_wait3A_45 = arith.constant 0 : i32
    %dma_wait3A_46 = tpu.memref_slice %arg4[%add3A_39, %dma_wait3A_45] : memref<16384x2048xf32, #tpu.memory_space<hbm>> -> memref<4x2048xf32, #tpu.memory_space<hbm>>
    %dma_wait3A_47 = arith.constant 4 : i32
    %dma_wait3A_48 = arith.constant 0 : i32
    %dma_wait3A_49 = tpu.memref_slice %arg8[%dma_wait3A_47, %dma_wait3A_48] : memref<8x2048xf32, #tpu.memory_space<vmem>> -> memref<4x2048xf32, #tpu.memory_space<vmem>>
    tpu.wait_dma2 semaphore(%arg12 : memref<!tpu.dma_semaphore, #tpu.memory_space<semaphore_mem>>) src(%dma_wait3A_49 : memref<4x2048xf32, #tpu.memory_space<vmem>>) dst(%dma_wait3A_46 : memref<4x2048xf32, #tpu.memory_space<hbm>>)
    %dma_wait3A_50 = arith.constant 0 : i32
    %dma_wait3A_51 = arith.constant 0 : i32
    %dma_wait3A_52 = tpu.memref_slice %arg9[%dma_wait3A_50, %dma_wait3A_51] : memref<8x2048xf32, #tpu.memory_space<vmem>> -> memref<4x2048xf32, #tpu.memory_space<vmem>>
    %dma_wait3A_53 = arith.constant 0 : i32
    %dma_wait3A_54 = tpu.memref_slice %arg4[%add3A_27, %dma_wait3A_53] : memref<16384x2048xf32, #tpu.memory_space<hbm>> -> memref<4x2048xf32, #tpu.memory_space<hbm>>
    %dma_wait3A_55 = arith.constant 0 : i32
    %dma_wait3A_56 = tpu.memref_slice %arg4[%add3A_27, %dma_wait3A_55] : memref<16384x2048xf32, #tpu.memory_space<hbm>> -> memref<4x2048xf32, #tpu.memory_space<hbm>>
    %dma_wait3A_57 = arith.constant 0 : i32
    %dma_wait3A_58 = arith.constant 0 : i32
    %dma_wait3A_59 = tpu.memref_slice %arg9[%dma_wait3A_57, %dma_wait3A_58] : memref<8x2048xf32, #tpu.memory_space<vmem>> -> memref<4x2048xf32, #tpu.memory_space<vmem>>
    tpu.wait_dma2 semaphore(%arg13 : memref<!tpu.dma_semaphore, #tpu.memory_space<semaphore_mem>>) src(%dma_wait3A_59 : memref<4x2048xf32, #tpu.memory_space<vmem>>) dst(%dma_wait3A_56 : memref<4x2048xf32, #tpu.memory_space<hbm>>)
    %add3A_60 = arith.constant 4 : i32
    %add3A_61 = arith.addi %add3A_27, %add3A_60 : i32
    %dma_wait3A_62 = arith.constant 4 : i32
    %dma_wait3A_63 = arith.constant 0 : i32
    %dma_wait3A_64 = tpu.memref_slice %arg9[%dma_wait3A_62, %dma_wait3A_63] : memref<8x2048xf32, #tpu.memory_space<vmem>> -> memref<4x2048xf32, #tpu.memory_space<vmem>>
    %dma_wait3A_65 = arith.constant 0 : i32
    %dma_wait3A_66 = tpu.memref_slice %arg4[%add3A_61, %dma_wait3A_65] : memref<16384x2048xf32, #tpu.memory_space<hbm>> -> memref<4x2048xf32, #tpu.memory_space<hbm>>
    %dma_wait3A_67 = arith.constant 0 : i32
    %dma_wait3A_68 = tpu.memref_slice %arg4[%add3A_61, %dma_wait3A_67] : memref<16384x2048xf32, #tpu.memory_space<hbm>> -> memref<4x2048xf32, #tpu.memory_space<hbm>>
    %dma_wait3A_69 = arith.constant 4 : i32
    %dma_wait3A_70 = arith.constant 0 : i32
    %dma_wait3A_71 = tpu.memref_slice %arg9[%dma_wait3A_69, %dma_wait3A_70] : memref<8x2048xf32, #tpu.memory_space<vmem>> -> memref<4x2048xf32, #tpu.memory_space<vmem>>
    tpu.wait_dma2 semaphore(%arg13 : memref<!tpu.dma_semaphore, #tpu.memory_space<semaphore_mem>>) src(%dma_wait3A_71 : memref<4x2048xf32, #tpu.memory_space<vmem>>) dst(%dma_wait3A_68 : memref<4x2048xf32, #tpu.memory_space<hbm>>)
    return
  }
}

</mosaic_0001>

<sc_bundles>
// kernel: kernel.3.cloned.1.call-start
scs
__scs_entry_jumppad:
0x0: {  	(pc) =	sbr.rel $0x88, $3  }
0x1: {  	(tag) =	ssettag $0x0;
	lr =	simm.s32 $0x1  }
0x2: {  	[smem:$0x3F9F] =	sst lr;
	_ =	strace $0xD0000000  }
0x3: {  	_ = 	snop  }
0x4: {  	_ = 	snop  }
0x5: {  	_ = 	snop  }
0x6: {  	_ = 	snop  }
0x7: {  	_ = 	snop  }
__scs_overlays_trampoline_lowered:
0x8: {  	[smem:$0x3FAE] =	sst s0  }
0x9: {  	[smem:$0x3FAF] =	sst s1  }
0xa: {  	[smem:$0x3FB0] =	sst s2  }
0xb: {  	[smem:$0x3FB1] =	sst s3  }
0xc: {  	[smem:$0x3FB2] =	sst s4  }
0xd: {  	[smem:$0x3FB3] =	sst s5  }
0xe: {  	[smem:$0x3FB4] =	sst s6  }
0xf: {  	[smem:$0x3FB5] =	sst s7  }
0x10: {  	[smem:$0x3FB6] =	sst s8  }
0x11: {  	[smem:$0x3FB7] =	sst s9;
	s0 =	simm.s32 @!p0 $0x0  }
0x12: {  	s1 =	sld [smem:$0x3F9D];
	s0 =	simm.s32 @p0 $0x1  }
0x13: {  	[smem:$0x3FB8] =	sst s0;
	s0 =	simm.s32 @!p1 $0x0  }
0x14: {  	s2 =	sld [smem:$0x3F9C];
	s0 =	simm.s32 @p1 $0x1  }
0x15: {  	[smem:$0x3FB9] =	sst s0;
	s0 =	simm.s32 @!p2 $0x0  }
0x16: {  	s3 =	sld [smem:$0x3FDB];
	s0 =	simm.s32 @p2 $0x1  }
0x17: {  	s4 =	simm.s32 $0x1BF5;
	[smem:$0x3FBB] =	sst s0  }
0x18: {  	s0 =	sld [smem:$0x3F9E];
	_ =	swait.ge [sflag:s4], $0x0  }
0x19: {  	s7 =	sld [smem:$0x3F9F]  }
0x1a: {  	s8 =	sadd.s32 $0xFFFFE003, lr  }
0x1b: {  	s9 =	sadd.s32 $0xFFFFFEF7, lr;
	s5 =	simm.s32 $0xFFFFFFFF;
	p2 =	slt.u32 s8, $0xFFFFF086  }
0x1c: {  	p1 =	slt.u32 s9, $0xF7A;
	s5 =	simm.s32 @!p2 $0x0  }
0x1d: {  	s5 =	simm.s32 @p1 $0x1;
	p0 =	seq.s32 s7, s2  }
0x1e: {  	s7 =	smul.u32 @!p0 $0xF7A, s2;
	p2 =	seq.s32 @!p0 s5, $0x0  }
0x1f: {  	s9 =	smul.u32 $0xF7A, s1;
	s8 =	simm.s32 @!p0 $0x1BF5;
	p2 =	por !p2, p0  }
0x20: {  	[sflag:s8] =	ssyncset.s32 @!p0 $0xFFFFF086;
	s6 =	sadd.s32 @!p0 s3, s7;
	s7 =	simm.s32 @!p0 $0x108  }
0x21: {  	s3 =	sadd.s32 s3, s9;
	s6 =	sadd.s32 @!p0 $0x88, s6;
	s7 =	simm.s32 @p2 $0x1082  }
0x22: {  	[simem:s7], [sflag:s8] =	dma.local @!p0 [hbm:s6], $0xF7A  }
0x23: {  	s9 =	sor.u32 $0xD0000000, s2;
	s6 =	simm.s32 $0x108;
	_ =	swait.ge @!p0 [sflag:s8], $0x0  }
0x24: {  	s3 =	sadd.s32 $0x88, s3;
	s6 =	simm.s32 @!p1 $0x1082;
	[sflag:s4] =	ssyncset.s32 $0xFFFFF086  }
0x25: {  	[simem:s6], [sflag:s4] =	dma.local [hbm:s3], $0xF7A  }
0x26: {  	[smem:$0x3F9F] =	sst s1;
	(tag) =	ssettag s2;
	_ =	strace s9  }
0x27: {  	s1 =	sld [smem:$0x3FAF]  }
0x28: {  	s2 =	sld [smem:$0x3FB0]  }
0x29: {  	s4 =	sld [smem:$0x3FB2]  }
0x2a: {  	p0 =	seq.s32 s5, $0x0;
	s5 =	sld [smem:$0x3FB3]  }
0x2b: {  	s6 =	sld [smem:$0x3FB4]  }
0x2c: {  	s7 =	sld [smem:$0x3FB5]  }
0x2d: {  	s3 =	simm.s32 $0x108;
	s8 =	sld [smem:$0x3FB6]  }
0x2e: {  	s3 =	simm.s32 @!p0 $0x1082;
	s9 =	sld [smem:$0x3FB7]  }
0x2f: {  	lr =	sadd.s32 s0, s3;
	s0 =	sld [smem:$0x3FAE]  }
0x30: {  	s3 =	sld [smem:$0x3FB1]  }
0x31: {  	[smem:$0x3FBA] =	sst s10  }
0x32: {  	s10 =	sld [smem:$0x3FB8];
	_ =	sdelay $0x3  }
0x33: {  	p0 =	seq.s32 s10, $0x1;
	s10 =	sld [smem:$0x3FBA];
	_ =	sdelay $0x3  }
0x34: {  	[smem:$0x3FBA] =	sst s10  }
0x35: {  	s10 =	sld [smem:$0x3FB9];
	_ =	sdelay $0x3  }
0x36: {  	p1 =	seq.s32 s10, $0x1;
	s10 =	sld [smem:$0x3FBA];
	_ =	sdelay $0x3  }
0x37: {  	[smem:$0x3FBA] =	sst s10  }
0x38: {  	s10 =	sld [smem:$0x3FBB]  }
0x39: {  	_ = 	snop;
	(pc) =	sbr.ind lr, $3  }
0x3a: {  	_ = 	snop  }
0x3b: {  	_ = 	snop  }
0x3c: {  	p2 =	seq.s32 s10, $0x1;
	s10 =	sld [smem:$0x3FBA]  }
0x3d: {  	_ =	shalt  }
0x3e: {  	_ =	shalt  }
0x3f: {  	_ =	shalt  }
0x40: {  	_ =	shalt  }
0x41: {  	_ =	shalt  }
0x42: {  	_ =	shalt  }
0x43: {  	_ =	shalt  }
0x44: {  	_ =	shalt  }
0x45: {  	_ =	shalt  }
0x46: {  	_ =	shalt  }
0x47: {  	_ =	shalt  }
0x48: {  	_ =	shalt  }
0x49: {  	_ =	shalt  }
0x4a: {  	_ =	shalt  }
0x4b: {  	_ =	shalt  }
0x4c: {  	_ =	shalt  }
0x4d: {  	_ =	shalt  }
0x4e: {  	_ =	shalt  }
0x4f: {  	_ =	shalt  }
0x50: {  	_ =	shalt  }
0x51: {  	_ =	shalt  }
0x52: {  	_ =	shalt  }
0x53: {  	_ =	shalt  }
0x54: {  	_ =	shalt  }
0x55: {  	_ =	shalt  }
0x56: {  	_ =	shalt  }
0x57: {  	_ =	shalt  }
0x58: {  	_ =	shalt  }
0x59: {  	_ =	shalt  }
0x5a: {  	_ =	shalt  }
0x5b: {  	_ =	shalt  }
0x5c: {  	_ =	shalt  }
0x5d: {  	_ =	shalt  }
0x5e: {  	_ =	shalt  }
0x5f: {  	_ =	shalt  }
0x60: {  	_ =	shalt  }
0x61: {  	_ =	shalt  }
0x62: {  	_ =	shalt  }
0x63: {  	_ =	shalt  }
0x64: {  	_ =	shalt  }
0x65: {  	_ =	shalt  }
0x66: {  	_ =	shalt  }
0x67: {  	_ =	shalt  }
0x68: {  	_ =	shalt  }
0x69: {  	_ =	shalt  }
0x6a: {  	_ =	shalt  }
0x6b: {  	_ =	shalt  }
0x6c: {  	_ =	shalt  }
0x6d: {  	_ =	shalt  }
0x6e: {  	_ =	shalt  }
0x6f: {  	_ =	shalt  }
0x70: {  	_ =	shalt  }
0x71: {  	_ =	shalt  }
0x72: {  	_ =	shalt  }
0x73: {  	_ =	shalt  }
0x74: {  	_ =	shalt  }
0x75: {  	_ =	shalt  }
0x76: {  	_ =	shalt  }
0x77: {  	_ =	shalt  }
0x78: {  	_ =	shalt  }
0x79: {  	_ =	shalt  }
0x7a: {  	_ =	shalt  }
0x7b: {  	_ =	shalt  }
0x7c: {  	_ =	shalt  }
0x7d: {  	_ =	shalt  }
0x7e: {  	_ =	shalt  }
0x7f: {  	_ =	shalt  }
0x80: {  	_ =	shalt  }
0x81: {  	_ =	shalt  }
0x82: {  	_ =	shalt  }
0x83: {  	_ =	shalt  }
0x84: {  	_ =	shalt  }
0x85: {  	_ =	shalt  }
0x86: {  	_ =	shalt  }
0x87: {  	_ =	shalt  }
.Lfunc_end0:
.L_simem_size_0:
called_computation_lowered:
.L_overlay_start_0:
0x88: {  	s2 =	sld [smem:$0x3FD9]  }
0x89: {  	s3 =	sld [smem:$0x3FFE];
	_ =	sdelay $0x1  }
0x8a: {  	s1 =	srdreg.scid  }
0x8b: {  	s0 =	sand.u32 $0x1, s1  }
0x8c: {  	s18 =	sshll.u32 s0, $0xA;
	s2 =	sadd.s32 s3, s2  }
0x8d: {  	s2 =	sadd.s32 s2, s18  }
0x8e: {  	[smem:$0x3FC6] =	sst s2  }
0x8f: {  	_ = 	snop  }
0x90: {  	s2 =	sld [smem:$0x3FC9]  }
0x91: {  	s19 =	sld [smem:$0x3FC8]  }
0x92: {  	s4 =	sld [smem:$0x3FD0];
	(tm) =	ssettm $0x1  }
0x93: {  	s5 =	sld [smem:$0x3FFB];
	_ =	sdelay $0x3  }
0x94: {  	_ =	strace s5  }
0x95: {  	s5 =	sld [smem:$0x3FFC];
	_ =	sdelay $0x3  }
0x96: {  	_ =	strace s5  }
0x97: {  	s5 =	sld [smem:$0x3FFD];
	_ =	sdelay $0x3  }
0x98: {  	_ =	strace s5  }
0x99: {  	_ =	strace $0x8FFFFFFF  }
0x9a: {  	s20 =	sld [smem:$0x3FDB];
	_ =	sdelay $0x1  }
0x9b: {  	s6 =	simm.s32 $_scs_section_size  }
0x9c: {  	s7 =	simm.s32 $_size__tile_overlayer_lowered;
	s8 =	simm.s32 $_tile_overlayer_lowered  }
0x9d: {  	s23 =	simm.s32 $0x1BFF;
	s22 =	sshll.u32 s8, $0x1;
	s5 =	sadd.s32 s6, s20  }
0x9e: {  	s9 =	simm.s32 $0x0;
	s21 =	sshll.u32 s7, $0x1;
	s7 =	sadd.s32 s22, s5  }
0x9f: {  	[timem:s9], [sflag:s23] =	dma.local [hbm:s7], s21  }
0xa0: {  	_ =	swait.ge [sflag:s23], s21  }
0xa1: {  	s6 =	ssub.s32 $0x0, s21;
	[sflag:s23] =	ssyncset.done $0x0  }
0xa2: {  	[sflag:s23] =	ssyncadd.s32 s6;
	_ =	sdelay $0x1  }
0xa3: {  	s24 =	simm.s32 $0x1B8B  }
0xa4: {  	_ =	swait.ge [sflag:s24], $0x1  }
0xa5: {  	[sflag:s24] =	ssyncset.done $0x0  }
0xa6: {  	s25 =	simm.s32 $0x1B8E;
	[sflag:s24] =	ssyncadd.s32 $0xFFFFFFFF  }
0xa7: {  	s26 =	simm.s32 $execute0_lowered;
	[smem:$0x3FD2] =	sst s25  }
0xa8: {  	s6 =	sshll.u32 s26, $0x1;
	_ =	strace $0x80000046;
	[dreg:$0x1] =	wrdreg $0xFFFFFFFF  }
0xa9: {  	s28 =	simm.s32 $_size_execute0_lowered;
	s5 =	sadd.s32 s5, s6;
	[dreg:$0x0] =	wrdreg $0x0  }
0xaa: {  	s6 =	sshll.u32 s28, $0x1;
	[dreg:$0x2] =	wrdreg s5  }
0xab: {  	[dreg:$0x3] =	wrdreg s6  }
0xac: {  	[dreg:$0x4] =	wrdreg $0xC0  }
0xad: {  	_ =	task [dreg:s9], $0x5FFFF  }
0xae: {  	[dreg:$0x1] =	wrdreg $0xFFFFFFFF  }
0xaf: {  	[dreg:$0x0] =	wrdreg $0x60  }
0xb0: {  	[dreg:$0x2] =	wrdreg s2  }
0xb1: {  	[dreg:$0x3] =	wrdreg s19  }
0xb2: {  	[dreg:$0x4] =	wrdreg s4  }
0xb3: {  	[dreg:$0x5] =	wrdreg $0x9  }
0xb4: {  	_ =	task.clear_ibuf [dreg:s9], $0x6FFFF;
	_ =	strace $0x90000046  }
0xb5: {  	s29 =	simm.s32 $0x9;
	_ =	strace $0x80000048  }
0xb6: {  	_ =	swait.ge [sflag:s29], $0x1  }
0xb7: {  	[sflag:s29] =	ssyncadd.s32 $0xFFFFFFFF  }
0xb8: {  	_ =	strace $0x90000048  }
0xb9: {  	_ =	sfence  }
0xba: {  	s30 =	sld [smem:$0x0];
	_ =	sdelay $0x2  }
0xbb: {  	s31 =	sshll.u32 s1, $0xD;
	s1 =	sshrl.u32 s1, $0x2  }
0xbc: {  	s3 =	sand.u32 $0x4000, s31;
	s1 =	sadd.s32 s1, s30  }
0xbd: {  	s0 =	sor.u32 s3, s0;
	s1 =	sshll.u32 s1, $0x11  }
0xbe: {  	s0 =	sor.u32 s1, s0  }
0xbf: {  	s0 =	sadd.s32 $0x8F2B, s0  }
0xc0: {  	[sflag:s0] =	ssyncadd.remote.s32 $0x1  }
0xc1: {  	_ =	sfence.sel $0xFFFF  }
0xc2: {  	[dreg:$0x0] =	wrdreg $0xFFFFFFFF;
	(pc) =	sbr.abs _section_cstart, $3  }
0xc3: {  	[dreg:$0x1] =	wrdreg $0xFFFFFFFF  }
0xc4: {  	_ =	task.clear_ibuf [dreg:s9], $0x2FFFF;
	_ =	strace $0x9FFFFFFF  }
0xc5: {  	(tm) =	ssettm $0x7FFFFFFF  }
tec
execute0_lowered:
.L_overlay_start_1:
0x0: {  	(tag) =	ssettag $0x1  }
0x1: {  	s3 =	rddreg [dreg:$0x0]  }
0x2: {  	s6 =	rddreg [dreg:$0x2]  }
0x3: {  	s5 =	simm.s32 $0x0;
	s0 =	srdreg.scid;
	s2 =	stileid.u32  }
0x4: {  	s13 =	simm.s32 $0x800;
	s14 =	simm.s32 $0x4800;
	s15 =	simm.s32 $0x1  }
0x5: {  	s25 =	simm.s32 $0x2;
	[smem:$0x7FF] =	sst s5;
	s0 =	sand.u32 $0x1, s0  }
0x6: {  	s2 =	sshll.u32 s2, $0x12;
	s29 =	sadd.s32 $0x40, s6;
	s30 =	sadd.s32 $0x1000, s3  }
0x7: {  	s8 =	smov.u32 s6;
	s31 =	sadd.s32 $0x840, s6;
	s1 =	ssub.s32 $0x2, s0  }
0x8: {  	s0 =	sshll.u32 s0, $0x11;
	_ =	strace $0x80000047;
	[dreg:$0x5] =	wrdreg s29  }
0x9: {  	[dreg:$0x6] =	wrdreg s30;
	s4 =	sshrl.u32 s1, $0x1;
	s2 =	sor.u32 s0, s2  }
0xa: {  	[dreg:$0x7] =	wrdreg s31;
	s26 =	ssub.s32 s1, s4;
	s28 =	sadd.s32 s3, s2  }
0xb: {  	s10 =	smov.u32 s2;
	[dreg:$0x4] =	wrdreg s28;
	s0 =	smax.u32 s26, $0x1  }
0xc: {  	s1 =	simm.s32 $0x0;
	s26 =	simm.s32 $0x4;
	[dreg:$0x8] =	wrdreg s0  }
.LBB2_1:
0xd: {  	[dreg:$0x9] =	wrdreg s1  }
0xe: {  	s0 =	rddreg [dreg:$0x1];
	s30 =	simm.s32 $0x5  }
0xf: {  	[tilespmem:s5], [sflag:$0x5] =	stream.linear.gather [hbm4b:s0+s5], $0x800, $0x38;
	[tilespmem:$0x10800] =	vst v63  }
0x10: {  	_ =	swait.ge [sflag:s30], $0x800  }
0x11: {  	[sflag:s30] =	ssyncset.done $0x0  }
0x12: {  	s9 =	simm.s32 $0x0;
	s31 =	rddreg [dreg:$0x4];
	[sflag:s30] =	ssyncadd.s32 $0xFFFFF800  }
0x13: {  	[tilespmem:s13], [sflag:$0x1] =	stream.linear.gather [hbm4b:s31+s5], $0x4000, $0x38;
	[tilespmem:$0x10800] =	vst v63  }
.LBB2_2:
0x14: {  	s0 =	sshll.u32 s9, $0xC  }
0x15: {  	s16 =	sadd.s32 s10, s0  }
0x16: {  	s4 =	rddreg [dreg:$0x0];
	s17 =	sor.u32 $0x800, s16  }
0x17: {  	s0 =	sadd.s32 s4, s17  }
0x18: {  	[tilespmem:s14], [sflag:$0x2] =	stream.linear.gather [hbm4b:s0+s5], $0x4000, $0x38;
	[tilespmem:$0x10800] =	vst v63  }
0x19: {  	_ =	swait.ge [sflag:s15], $0x4000  }
0x1a: {  	p0 =	seq.s32 s9, $0x0;
	[sflag:s15] =	ssyncset.done $0x0  }
0x1b: {  	s0 =	simm.s32 @!p0 $0x3;
	[sflag:s15] =	ssyncadd.s32 $0xFFFFC000  }
0x1c: {  	_ =	swait.ge @!p0 [sflag:s0], $0x2000  }
0x1d: {  	[sflag:s0] =	ssyncset.done @!p0 $0x0  }
0x1e: {  	s2 =	simm.s32 $0x0;
	[sflag:s0] =	ssyncadd.s32 @!p0 $0xFFFFE000  }
0x1f: {  	s18 =	sand.u32 $0x40, s2;
	_ =	swait.ge @!p0 [sflag:s0], $0x2000  }
0x20: {  	s2 =	sand.u32 $0x780, s2;
	s19 =	sor.u32 $0x30, s18;
	[sflag:s0] =	ssyncset.done @!p0 $0x0  }
0x21: {  	s20 =	sor.u32 $0x10, s18;
	s6 =	sor.u32 s19, s2;
	[sflag:s0] =	ssyncadd.s32 @!p0 $0xFFFFE000  }
0x22: {  	s4 =	sor.u32 s20, s2;
	v0 =	vld [tilespmem:s6+$0x0]  }
0x23: {  	v1 =	vld [tilespmem:s4+$0x0]  }
0x24: {  	s22 =	sor.u32 $0x20, s18  }
0x25: {  	s7 =	sor.u32 s22, s2  }
0x26: {  	v2 =	vld [tilespmem:s7+$0x0]  }
0x27: {  	v3 =	vshll.u32 v0, $0x3  }
0x28: {  	v4 =	vshll.u32 v1, $0x3;
	v0 =	vand.u32 $0x7F, v0;
	v3 =	vand.u32 $0xFFFFFC00, v3  }
0x29: {  	s11 =	simm.s32 $0x0;
	v1 =	vand.u32 $0x7F, v1;
	v4 =	vand.u32 $0xFFFFFC00, v4;
	v0 =	vor.u32 v0, v3  }
0x2a: {  	v3 =	vld [tilespmem:s11+$0x0];
	v4 =	vor.u32 v1, v4  }
0x2b: {  	v1 =	vshll.u32 v2, $0x3  }
0x2c: {  	v2 =	vand.u32 $0x7F, v2;
	v1 =	vand.u32 $0xFFFFFC00, v1  }
0x2d: {  	v2 =	vor.u32 v2, v1  }
0x2e: {  	v1 =	vld.idx.msk [tilespmem:v0+s13+$0x0], $0xffff  }
0x2f: {  	s12 =	simm.s32 $0x40;
	v7 =	vor.u32 $0x80, v0;
	v5 =	vshll.u32 v3, $0x3;
	v6 =	vld.idx.msk [tilespmem:v4+s13+$0x0], $0xffff  }
0x30: {  	s24 =	simm.s32 $0x40;
	s21 =	sand.u32 $0x3C00, s11;
	s0 =	sand.u32 $0x40, s12;
	v8 =	vor.u32 $0x80, v4;
	v3 =	vand.u32 $0x7F, v3;
	v5 =	vand.u32 $0xFFFFFC00, v5  }
0x31: {  	s23 =	sadd.s32 $0x8800, s21;
	s1 =	sor.u32 $0x30, s0;
	v3 =	vor.u32 v3, v5;
	v5 =	vld [tilespmem:s24+$0x0];
	s24 =	sand.u32 $0x780, s12  }
0x32: {  	s29 =	sor.u32 s19, s23;
	v9 =	vld.idx.msk [tilespmem:v2+s13+$0x0], $0xffff;
	s2 =	sor.u32 s1, s24  }
0x33: {  	s21 =	sor.u32 s20, s23;
	v10 =	vor.u32 $0x80, v2;
	[tilespmem:s29+$0x0] =	vst v1;
	v1 =	vld [tilespmem:s2+$0x0]  }
0x34: {  	s31 =	sor.u32 $0x20, s0;
	[tilespmem:s21+$0x0] =	vst v6;
	v7 =	vld.idx.msk [tilespmem:v7+s13+$0x0], $0xffff  }
0x35: {  	s7 =	sor.u32 s31, s24;
	v6 =	vor.u32 $0x100, v0;
	v8 =	vld.idx.msk [tilespmem:v8+s13+$0x0], $0xffff  }
0x36: {  	s6 =	sor.u32 s22, s23;
	v12 =	vor.u32 $0x100, v4;
	v16 =	vld [tilespmem:s7+$0x0]  }
0x37: {  	s2 =	sor.u32 $0x10, s0;
	v11 =	vld.idx.msk [tilespmem:v3+s13+$0x0], $0xffff;
	[tilespmem:s6+$0x0] =	vst v9  }
0x38: {  	v13 =	vor.u32 $0x80, v3;
	s3 =	sor.u32 s2, s24;
	v9 =	vld.idx.msk [tilespmem:v10+s13+$0x0], $0xffff;
	v10 =	vshll.u32 v1, $0x3  }
0x39: {  	v15 =	vor.u32 $0x100, v2;
	v14 =	vld [tilespmem:s3+$0x0];
	v1 =	vand.u32 $0x7F, v1;
	[tilespmem:s29+$0x80] =	vst v7;
	v7 =	vand.u32 $0xFFFFFC00, v10  }
0x3a: {  	[tilespmem:s21+$0x80] =	vst v8;
	v6 =	vld.idx.msk [tilespmem:v6+s13+$0x0], $0xffff;
	v1 =	vor.u32 v1, v7  }
0x3b: {  	s18 =	sor.u32 s18, s23;
	s11 =	simm.s32 $0x80;
	v0 =	vor.u32 $0x180, v0;
	v7 =	vld.idx.msk [tilespmem:v12+s13+$0x0], $0xffff  }
0x3c: {  	v4 =	vor.u32 $0x180, v4;
	[tilespmem:s18+$0x0] =	vst v11;
	v11 =	vld [tilespmem:s11+$0x0]  }
0x3d: {  	v10 =	vld.idx.msk [tilespmem:v13+s13+$0x0], $0xffff;
	[tilespmem:s6+$0x80] =	vst v9  }
0x3e: {  	s24 =	simm.s32 $0x80;
	v8 =	vshll.u32 v5, $0x3;
	v9 =	vshll.u32 v14, $0x3;
	v12 =	vld.idx.msk [tilespmem:v15+s13+$0x0], $0xffff  }
0x3f: {  	s20 =	sand.u32 $0x40, s24;
	v13 =	vshll.u32 v16, $0x3;
	v14 =	vand.u32 $0x7F, v14;
	v9 =	vand.u32 $0xFFFFFC00, v9;
	v15 =	vld.idx.msk [tilespmem:v1+s13+$0x0], $0xffff;
	[tilespmem:s29+$0x100] =	vst v6  }
0x40: {  	s7 =	sand.u32 $0x780, s24;
	s23 =	sor.u32 $0x30, s20;
	v9 =	vor.u32 v14, v9;
	v6 =	vand.u32 $0xFFFFFC00, v13;
	v13 =	vand.u32 $0x7F, v16;
	[tilespmem:s21+$0x100] =	vst v7;
	v14 =	vld.idx.msk [tilespmem:v0+s13+$0x0], $0xffff  }
0x41: {  	s22 =	sor.u32 $0x10, s20;
	s28 =	sor.u32 s23, s7;
	v0 =	vand.u32 $0x7F, v5;
	v5 =	vand.u32 $0xFFFFFC00, v8;
	v13 =	vor.u32 v13, v6;
	v4 =	vld.idx.msk [tilespmem:v4+s13+$0x0], $0xffff  }
0x42: {  	s30 =	sor.u32 s22, s7;
	v16 =	vld [tilespmem:s28+$0x0];
	s28 =	sor.u32 $0x20, s20;
	v0 =	vor.u32 v0, v5  }
0x43: {  	v7 =	vld [tilespmem:s30+$0x0];
	s30 =	simm.s32 $0x200;
	s7 =	sor.u32 s28, s7;
	v5 =	vor.u32 $0x80, v1  }
0x44: {  	v6 =	vor.u32 $0x100, v3;
	s12 =	sand.u32 $0x3C00, s30;
	v8 =	vld [tilespmem:s7+$0x0]  }
0x45: {  	v2 =	vor.u32 $0x180, v2;
	s7 =	sadd.s32 $0x8800, s12;
	[tilespmem:s29+$0x180] =	vst v14;
	v14 =	vld.idx.msk [tilespmem:v9+s13+$0x0], $0xffff  }
0x46: {  	[tilespmem:s21+$0x180] =	vst v4;
	v4 =	vor.u32 $0x80, v9;
	v17 =	vld.idx.msk [tilespmem:v13+s13+$0x0], $0xffff;
	s29 =	sor.u32 s1, s7  }
0x47: {  	v19 =	vor.u32 $0x80, v13;
	v18 =	vld.idx.msk [tilespmem:v0+s13+$0x0], $0xffff;
	[tilespmem:s29+$0x0] =	vst v15  }
0x48: {  	[tilespmem:s18+$0x80] =	vst v10;
	v20 =	vor.u32 $0x80, v0;
	v15 =	vld.idx.msk [tilespmem:v5+s13+$0x0], $0xffff  }
0x49: {  	v22 =	vor.u32 $0x100, v1;
	[tilespmem:s6+$0x100] =	vst v12;
	v21 =	vld.idx.msk [tilespmem:v6+s13+$0x0], $0xffff;
	s21 =	sor.u32 s2, s7  }
0x4a: {  	v23 =	vld.idx.msk [tilespmem:v2+s13+$0x0], $0xffff;
	s19 =	sor.u32 s31, s7;
	v2 =	vshll.u32 v11, $0x3;
	v6 =	vor.u32 $0x100, v9;
	[tilespmem:s21+$0x0] =	vst v14;
	v14 =	vor.u32 $0x180, v3  }
0x4b: {  	s31 =	sor.u32 s0, s7;
	v3 =	vor.u32 $0x180, v9;
	[tilespmem:s19+$0x0] =	vst v17;
	v9 =	vand.u32 $0xFFFFFC00, v2;
	v10 =	vld.idx.msk [tilespmem:v4+s13+$0x0], $0xffff;
	v4 =	vand.u32 $0x7F, v11  }
0x4c: {  	[tilespmem:s31+$0x0] =	vst v18;
	v11 =	vld.idx.msk [tilespmem:v19+s13+$0x0], $0xffff;
	v4 =	vor.u32 v4, v9  }
0x4d: {  	v5 =	vor.u32 $0x100, v13;
	v2 =	vor.u32 $0x180, v13;
	v9 =	vshll.u32 v16, $0x3;
	v12 =	vld.idx.msk [tilespmem:v20+s13+$0x0], $0xffff;
	[tilespmem:s29+$0x80] =	vst v15  }
0x4e: {  	[tilespmem:s18+$0x100] =	vst v21;
	v17 =	vand.u32 $0x7F, v16;
	v15 =	vshll.u32 v7, $0x3;
	v9 =	vand.u32 $0xFFFFFC00, v9;
	v13 =	vld.idx.msk [tilespmem:v22+s13+$0x0], $0xffff  }
0x4f: {  	s0 =	simm.s32 $0xC0;
	[tilespmem:s6+$0x180] =	vst v23;
	v16 =	vshll.u32 v8, $0x3;
	v15 =	vand.u32 $0xFFFFFC00, v15;
	v9 =	vor.u32 v17, v9;
	v14 =	vld.idx.msk [tilespmem:v14+s13+$0x0], $0xffff  }
.LBB2_3:
0x50: {  	v17 =	vld [tilespmem:s0+$0x0];
	v7 =	vand.u32 $0x7F, v7;
	v16 =	vand.u32 $0xFFFFFC00, v16;
	v18 =	vor.u32 $0x180, v1;
	v1 =	vmovc v9  }
0x51: {  	v8 =	vand.u32 $0x7F, v8;
	v19 =	vld.idx.msk [tilespmem:v4+s13+$0x0], $0xffff;
	v7 =	vor.u32 v7, v15;
	v15 =	vor.u32 $0x100, v0;
	[tilespmem:s21+$0x80] =	vst v10  }
0x52: {  	v8 =	vor.u32 v8, v16;
	v10 =	vor.u32 $0x80, v7;
	v16 =	vld.idx.msk [tilespmem:v6+s13+$0x0], $0xffff;
	v6 =	vor.u32 $0x100, v7;
	[tilespmem:s19+$0x80] =	vst v11  }
0x53: {  	v11 =	vor.u32 $0x180, v7;
	v20 =	vor.u32 $0x80, v8;
	[tilespmem:s31+$0x80] =	vst v12;
	v12 =	vld.idx.msk [tilespmem:v5+s13+$0x0], $0xffff;
	v5 =	vor.u32 $0x100, v8  }
0x54: {  	v21 =	vor.u32 $0x180, v8;
	v9 =	vld.idx.msk [tilespmem:v9+s13+$0x0], $0xffff;
	[tilespmem:s29+$0x100] =	vst v13  }
0x55: {  	v13 =	vld.idx.msk [tilespmem:v18+s13+$0x0], $0xffff;
	[tilespmem:s18+$0x180] =	vst v14;
	s18 =	smov.u32 s31  }
0x56: {  	s30 =	sadd.s32 $0x200, s30;
	v14 =	vor.u32 $0x80, v1;
	v7 =	vld.idx.msk [tilespmem:v7+s13+$0x0], $0xffff  }
0x57: {  	s2 =	sand.u32 $0x3C00, s30;
	v8 =	vld.idx.msk [tilespmem:v8+s13+$0x0], $0xffff  }
0x58: {  	s24 =	sadd.s32 $0x40, s24;
	s2 =	sadd.s32 $0x8800, s2;
	v15 =	vld.idx.msk [tilespmem:v15+s13+$0x0], $0xffff;
	[tilespmem:s21+$0x100] =	vst v16  }
0x59: {  	s4 =	sand.u32 $0x40, s24;
	s7 =	sor.u32 s22, s2;
	s11 =	sor.u32 s23, s2;
	v16 =	vld.idx.msk [tilespmem:v3+s13+$0x0], $0xffff;
	[tilespmem:s19+$0x100] =	vst v12;
	v3 =	vmov v11  }
0x5a: {  	s22 =	sor.u32 $0x10, s4;
	s23 =	sor.u32 $0x30, s4;
	s31 =	sand.u32 $0x780, s24;
	[tilespmem:s11+$0x0] =	vst v9;
	v9 =	vld.idx.msk [tilespmem:v2+s13+$0x0], $0xffff;
	v2 =	vmov v21  }
0x5b: {  	s1 =	sor.u32 $0x20, s4;
	s12 =	sor.u32 s22, s31;
	s3 =	sor.u32 s23, s31;
	v14 =	vld.idx.msk [tilespmem:v14+s13+$0x0], $0xffff;
	[tilespmem:s29+$0x180] =	vst v13  }
0x5c: {  	s6 =	sor.u32 s1, s31;
	s31 =	sor.u32 s20, s2;
	s2 =	sor.u32 s28, s2;
	v12 =	vor.u32 $0x80, v4;
	v13 =	vld [tilespmem:s3+$0x0];
	[tilespmem:s7+$0x0] =	vst v7  }
0x5d: {  	p1 =	slt.u32 s24, $0x7C0;
	v18 =	vor.u32 $0x100, v1;
	s20 =	smov.u32 s4;
	s29 =	smov.u32 s11;
	v7 =	vld [tilespmem:s12+$0x0];
	[tilespmem:s2+$0x0] =	vst v8  }
0x5e: {  	s28 =	smov.u32 s1;
	v11 =	vshll.u32 v17, $0x3;
	v8 =	vld [tilespmem:s6+$0x0];
	[tilespmem:s31+$0x0] =	vst v19;
	v19 =	vor.u32 $0x180, v0;
	v0 =	vmov v4  }
.Ltmp0:
0x5f: {  	v11 =	vand.u32 $0xFFFFFC00, v11;
	v4 =	vand.u32 $0x7F, v17;
	v10 =	vld.idx.msk [tilespmem:v10+s13+$0x0], $0xffff;
	[tilespmem:s18+$0x100] =	vst v15;
	(pc) =	sbr.rel @p1 .LBB2_3-.Ltmp0, $4  }
0x60: {  	v4 =	vor.u32 v4, v11;
	v11 =	vld.idx.msk [tilespmem:v20+s13+$0x0], $0xffff;
	[tilespmem:s21+$0x180] =	vst v16;
	s21 =	smov.u32 s7  }
0x61: {  	v15 =	vshll.u32 v13, $0x3;
	v12 =	vld.idx.msk [tilespmem:v12+s13+$0x0], $0xffff;
	[tilespmem:s29+$0x80] =	vst v14  }
0x62: {  	v17 =	vand.u32 $0x7F, v13;
	v14 =	vshll.u32 v7, $0x3;
	v20 =	vand.u32 $0xFFFFFC00, v15;
	v13 =	vld.idx.msk [tilespmem:v18+s13+$0x0], $0xffff;
	[tilespmem:s19+$0x180] =	vst v9;
	s19 =	smov.u32 s2  }
0x63: {  	s0 =	sadd.s32 $0x40, s0;
	v15 =	vand.u32 $0xFFFFFC00, v14;
	v16 =	vshll.u32 v8, $0x3;
	v9 =	vor.u32 v17, v20;
	v14 =	vld.idx.msk [tilespmem:v19+s13+$0x0], $0xffff  }
0x64: {  	_ =	sdelay $0x2  }
0x65: {  	v7 =	vand.u32 $0x7F, v7;
	[tilespmem:s21+$0x80] =	vst v10;
	v1 =	vor.u32 $0x180, v1  }
0x66: {  	v16 =	vand.u32 $0xFFFFFC00, v16;
	v8 =	vand.u32 $0x7F, v8;
	v7 =	vor.u32 v7, v15;
	v6 =	vld.idx.msk [tilespmem:v6+s13+$0x0], $0xffff  }
0x67: {  	v10 =	vld.idx.msk [tilespmem:v9+s13+$0x0], $0xffff;
	v8 =	vor.u32 v8, v16;
	[tilespmem:s19+$0x80] =	vst v11  }
0x68: {  	s0 =	sadd.s32 $0x200, s30;
	v16 =	vld.idx.msk [tilespmem:v4+s13+$0x0], $0xffff;
	[tilespmem:s31+$0x80] =	vst v12  }
0x69: {  	s0 =	sand.u32 $0x3C00, s0;
	v12 =	vor.u32 $0x80, v9;
	v5 =	vld.idx.msk [tilespmem:v5+s13+$0x0], $0xffff;
	[tilespmem:s29+$0x100] =	vst v13  }
0x6a: {  	s0 =	sadd.s32 $0x8800, s0;
	[tilespmem:s18+$0x180] =	vst v14;
	v1 =	vld.idx.msk [tilespmem:v1+s13+$0x0], $0xffff  }
0x6b: {  	s1 =	sor.u32 s23, s0;
	v11 =	vld.idx.msk [tilespmem:v7+s13+$0x0], $0xffff;
	[tilespmem:s21+$0x100] =	vst v6;
	v6 =	vor.u32 $0x80, v4  }
0x6c: {  	v15 =	vor.u32 $0x80, v7;
	s2 =	sor.u32 s22, s0;
	s3 =	sor.u32 s28, s0;
	s0 =	sor.u32 s20, s0;
	[tilespmem:s1+$0x0] =	vst v10;
	v13 =	vld.idx.msk [tilespmem:v8+s13+$0x0], $0xffff  }
0x6d: {  	v17 =	vor.u32 $0x80, v8;
	[tilespmem:s0+$0x0] =	vst v16  }
0x6e: {  	v10 =	vld.idx.msk [tilespmem:v12+s13+$0x0], $0xffff;
	[tilespmem:s19+$0x100] =	vst v5  }
0x6f: {  	v14 =	vor.u32 $0x100, v0;
	v3 =	vld.idx.msk [tilespmem:v3+s13+$0x0], $0xffff;
	[tilespmem:s29+$0x180] =	vst v1  }
0x70: {  	[tilespmem:s2+$0x0] =	vst v11;
	v11 =	vor.u32 $0x100, v9;
	v5 =	vld.idx.msk [tilespmem:v6+s13+$0x0], $0xffff  }
0x71: {  	v1 =	vor.u32 $0x100, v4;
	[tilespmem:s3+$0x0] =	vst v13;
	v12 =	vld.idx.msk [tilespmem:v15+s13+$0x0], $0xffff  }
0x72: {  	v13 =	vor.u32 $0x100, v7;
	v15 =	vld.idx.msk [tilespmem:v17+s13+$0x0], $0xffff  }
0x73: {  	v16 =	vor.u32 $0x100, v8;
	[tilespmem:s1+$0x80] =	vst v10  }
0x74: {  	v6 =	vld.idx.msk [tilespmem:v14+s13+$0x0], $0xffff;
	[tilespmem:s21+$0x180] =	vst v3  }
0x75: {  	v0 =	vor.u32 $0x180, v0;
	v10 =	vld.idx.msk [tilespmem:v11+s13+$0x0], $0xffff;
	[tilespmem:s0+$0x80] =	vst v5  }
0x76: {  	v9 =	vor.u32 $0x180, v9;
	[tilespmem:s2+$0x80] =	vst v12;
	v1 =	vld.idx.msk [tilespmem:v1+s13+$0x0], $0xffff  }
0x77: {  	v3 =	vor.u32 $0x180, v4;
	[tilespmem:s3+$0x80] =	vst v15;
	v11 =	vld.idx.msk [tilespmem:v13+s13+$0x0], $0xffff  }
0x78: {  	v7 =	vor.u32 $0x180, v7;
	v5 =	vld.idx.msk [tilespmem:v16+s13+$0x0], $0xffff  }
0x79: {  	v8 =	vor.u32 $0x180, v8;
	v2 =	vld.idx.msk [tilespmem:v2+s13+$0x0], $0xffff;
	[tilespmem:s31+$0x100] =	vst v6  }
0x7a: {  	v0 =	vld.idx.msk [tilespmem:v0+s13+$0x0], $0xffff;
	[tilespmem:s1+$0x100] =	vst v10  }
0x7b: {  	v4 =	vld.idx.msk [tilespmem:v9+s13+$0x0], $0xffff;
	[tilespmem:s0+$0x100] =	vst v1  }
0x7c: {  	[tilespmem:s2+$0x100] =	vst v11;
	v1 =	vld.idx.msk [tilespmem:v3+s13+$0x0], $0xffff  }
0x7d: {  	[tilespmem:s3+$0x100] =	vst v5;
	v6 =	vld.idx.msk [tilespmem:v7+s13+$0x0], $0xffff  }
0x7e: {  	[tilespmem:s19+$0x180] =	vst v2;
	v5 =	vld.idx.msk [tilespmem:v8+s13+$0x0], $0xffff  }
0x7f: {  	[tilespmem:s31+$0x180] =	vst v0  }
0x80: {  	[tilespmem:s1+$0x180] =	vst v4  }
0x81: {  	[tilespmem:s0+$0x180] =	vst v1  }
0x82: {  	[tilespmem:s2+$0x180] =	vst v6  }
0x83: {  	s1 =	simm.s32 $0x0;
	s0 =	sadd.s32 s8, s16;
	[tilespmem:s3+$0x180] =	vst v5;
	s3 =	simm.s32 $0x8800  }
0x84: {  	[hbm4b:s0+s1] =	stream.linear.scatter [tilespmem:s3], [sflag:$0x3], $0x200, $0x38;
	[tilespmem:$0x10800] =	vst v63  }
0x85: {  	s6 =	simm.s32 $0x8C00;
	s4 =	sadd.s32 $0x80, s0  }
0x86: {  	[hbm4b:s4+s1] =	stream.linear.scatter [tilespmem:s6], [sflag:$0x3], $0x200, $0x38;
	[tilespmem:$0x10800] =	vst v63  }
0x87: {  	s11 =	simm.s32 $0x9000;
	s7 =	sadd.s32 $0x100, s0  }
0x88: {  	[hbm4b:s7+s1] =	stream.linear.scatter [tilespmem:s11], [sflag:$0x3], $0x200, $0x38;
	[tilespmem:$0x10800] =	vst v63  }
0x89: {  	s18 =	simm.s32 $0x9400;
	s12 =	sadd.s32 $0x180, s0  }
0x8a: {  	[hbm4b:s12+s1] =	stream.linear.scatter [tilespmem:s18], [sflag:$0x3], $0x200, $0x38;
	[tilespmem:$0x10800] =	vst v63  }
0x8b: {  	s20 =	simm.s32 $0x9800;
	s19 =	sadd.s32 $0x200, s0  }
0x8c: {  	[hbm4b:s19+s1] =	stream.linear.scatter [tilespmem:s20], [sflag:$0x3], $0x200, $0x38;
	[tilespmem:$0x10800] =	vst v63  }
0x8d: {  	s22 =	simm.s32 $0x9C00;
	s21 =	sadd.s32 $0x280, s0  }
0x8e: {  	[hbm4b:s21+s1] =	stream.linear.scatter [tilespmem:s22], [sflag:$0x3], $0x200, $0x38;
	[tilespmem:$0x10800] =	vst v63  }
0x8f: {  	s24 =	simm.s32 $0xA000;
	s23 =	sadd.s32 $0x300, s0  }
0x90: {  	[hbm4b:s23+s1] =	stream.linear.scatter [tilespmem:s24], [sflag:$0x3], $0x200, $0x38;
	[tilespmem:$0x10800] =	vst v63  }
0x91: {  	s4 =	sadd.s32 $0x380, s0;
	s6 =	simm.s32 $0xA400  }
0x92: {  	[hbm4b:s4+s1] =	stream.linear.scatter [tilespmem:s6], [sflag:$0x3], $0x200, $0x38;
	[tilespmem:$0x10800] =	vst v63  }
0x93: {  	s7 =	sadd.s32 $0x400, s0;
	s11 =	simm.s32 $0xA800  }
0x94: {  	[hbm4b:s7+s1] =	stream.linear.scatter [tilespmem:s11], [sflag:$0x3], $0x200, $0x38;
	[tilespmem:$0x10800] =	vst v63  }
0x95: {  	s12 =	sadd.s32 $0x480, s0;
	s18 =	simm.s32 $0xAC00  }
0x96: {  	[hbm4b:s12+s1] =	stream.linear.scatter [tilespmem:s18], [sflag:$0x3], $0x200, $0x38;
	[tilespmem:$0x10800] =	vst v63  }
0x97: {  	s19 =	sadd.s32 $0x500, s0;
	s20 =	simm.s32 $0xB000  }
0x98: {  	[hbm4b:s19+s1] =	stream.linear.scatter [tilespmem:s20], [sflag:$0x3], $0x200, $0x38;
	[tilespmem:$0x10800] =	vst v63  }
0x99: {  	s21 =	sadd.s32 $0x580, s0;
	s22 =	simm.s32 $0xB400  }
0x9a: {  	[hbm4b:s21+s1] =	stream.linear.scatter [tilespmem:s22], [sflag:$0x3], $0x200, $0x38;
	[tilespmem:$0x10800] =	vst v63  }
0x9b: {  	s23 =	sadd.s32 $0x600, s0;
	s24 =	simm.s32 $0xB800  }
0x9c: {  	[hbm4b:s23+s1] =	stream.linear.scatter [tilespmem:s24], [sflag:$0x3], $0x200, $0x38;
	[tilespmem:$0x10800] =	vst v63  }
0x9d: {  	s3 =	sadd.s32 $0x680, s0;
	s4 =	simm.s32 $0xBC00  }
0x9e: {  	[hbm4b:s3+s1] =	stream.linear.scatter [tilespmem:s4], [sflag:$0x3], $0x200, $0x38;
	[tilespmem:$0x10800] =	vst v63  }
0x9f: {  	s6 =	sadd.s32 $0x700, s0;
	s7 =	simm.s32 $0xC000  }
0xa0: {  	[hbm4b:s6+s1] =	stream.linear.scatter [tilespmem:s7], [sflag:$0x3], $0x200, $0x38;
	[tilespmem:$0x10800] =	vst v63  }
0xa1: {  	s0 =	sadd.s32 $0x780, s0;
	s11 =	simm.s32 $0xC400;
	s12 =	simm.s32 $0x0  }
0xa2: {  	[hbm4b:s0+s1] =	stream.linear.scatter [tilespmem:s11], [sflag:$0x3], $0x200, $0x38;
	[tilespmem:$0x10800] =	vst v63  }
0xa3: {  	s0 =	sand.u32 $0x7C0, s12  }
0xa4: {  	v1 =	vld [tilespmem:s0+$0x30];
	_ =	sdelay $0x1  }
0xa5: {  	v0 =	vld [tilespmem:s1+$0x0]  }
0xa6: {  	v2 =	vld [tilespmem:s0+$0x10]  }
0xa7: {  	v3 =	vld [tilespmem:s0+$0x20]  }
0xa8: {  	v5 =	vshll.u32 v1, $0x3  }
0xa9: {  	v1 =	vand.u32 $0x7F, v1;
	v5 =	vand.u32 $0xFFFFFC00, v5  }
0xaa: {  	v4 =	vand.u32 $0x7F, v0;
	v0 =	vshll.u32 v0, $0x3;
	v5 =	vor.u32 v1, v5  }
0xab: {  	v0 =	vand.u32 $0xFFFFFC00, v0;
	v6 =	vor.u32 $0x200, v5  }
0xac: {  	v7 =	vshll.u32 v3, $0x3;
	v4 =	vor.u32 v4, v0;
	v1 =	vshll.u32 v2, $0x3  }
0xad: {  	v2 =	vand.u32 $0x7F, v2;
	v0 =	vor.u32 $0x200, v4;
	v1 =	vand.u32 $0xFFFFFC00, v1  }
0xae: {  	s18 =	simm.s32 $0x40;
	v7 =	vand.u32 $0xFFFFFC00, v7;
	v2 =	vor.u32 v2, v1;
	v1 =	vand.u32 $0x7F, v3  }
0xaf: {  	p1 =	por $0x0, $0x0;
	s19 =	simm.s32 $0x40;
	s0 =	simm.s32 $0x1;
	v8 =	vld [tilespmem:s18+$0x0];
	v3 =	vor.u32 $0x200, v2;
	v7 =	vor.u32 v1, v7  }
0xb0: {  	s1 =	sand.u32 $0x7C0, s19;
	s0 =	simm.s32 @!p1 $0x0;
	v1 =	vor.u32 $0x200, v7;
	v6 =	vld.idx.msk [tilespmem:v6+s13+$0x0], $0xffff  }
0xb1: {  	v11 =	vld [tilespmem:s1+$0x30];
	s0 =	sshll.u32 s0, $0x6;
	v9 =	vor.u32 $0x280, v5  }
0xb2: {  	s0 =	sadd.s32 $0x0, s0;
	v10 =	vld.idx.msk [tilespmem:v0+s13+$0x0], $0xffff  }
0xb3: {  	v14 =	vld [tilespmem:s1+$0x10];
	s4 =	sadd.s32 $0x30, s0;
	v12 =	vor.u32 $0x280, v4  }
0xb4: {  	s20 =	sor.u32 $0x200, s4;
	v0 =	vld.idx.msk [tilespmem:v3+s13+$0x0], $0xffff  }
0xb5: {  	v3 =	vor.u32 $0x280, v2;
	v1 =	vld.idx.msk [tilespmem:v1+s13+$0x0], $0xffff;
	[tilespmem:s20+$0x8800] =	vst v6  }
0xb6: {  	s23 =	sor.u32 $0x200, s0;
	v6 =	vor.u32 $0x280, v7;
	v9 =	vld.idx.msk [tilespmem:v9+s13+$0x0], $0xffff  }
0xb7: {  	v15 =	vld [tilespmem:s1+$0x20];
	s19 =	sadd.s32 $0x10, s0;
	v13 =	vshll.u32 v8, $0x3;
	v16 =	vor.u32 $0x300, v5;
	[tilespmem:s23+$0x8800] =	vst v10  }
0xb8: {  	s2 =	sadd.s32 $0x20, s0;
	s21 =	sor.u32 $0x200, s19;
	v8 =	vand.u32 $0x7F, v8;
	v13 =	vand.u32 $0xFFFFFC00, v13;
	v12 =	vld.idx.msk [tilespmem:v12+s13+$0x0], $0xffff  }
0xb9: {  	s22 =	sor.u32 $0x200, s2;
	v10 =	vor.u32 $0x300, v4;
	[tilespmem:s21+$0x8800] =	vst v0;
	v0 =	vor.u32 v8, v13  }
0xba: {  	s24 =	sor.u32 $0x280, s4;
	[tilespmem:s22+$0x8800] =	vst v1;
	v3 =	vld.idx.msk [tilespmem:v3+s13+$0x0], $0xffff;
	v13 =	vor.u32 $0x200, v0;
	v1 =	vshll.u32 v11, $0x3  }
0xbb: {  	v8 =	vor.u32 $0x300, v2;
	v11 =	vand.u32 $0x7F, v11;
	v1 =	vand.u32 $0xFFFFFC00, v1;
	v6 =	vld.idx.msk [tilespmem:v6+s13+$0x0], $0xffff;
	[tilespmem:s24+$0x8800] =	vst v9  }
0xbc: {  	s3 =	simm.s32 $0x80;
	s11 =	sor.u32 $0x280, s0;
	v18 =	vshll.u32 v14, $0x3;
	v17 =	vor.u32 $0x300, v7;
	v1 =	vor.u32 v11, v1;
	v11 =	vld.idx.msk [tilespmem:v16+s13+$0x0], $0xffff  }
0xbd: {  	v9 =	vand.u32 $0xFFFFFC00, v18;
	v18 =	vshll.u32 v15, $0x3;
	v19 =	vor.u32 $0x200, v1;
	[tilespmem:s11+$0x8800] =	vst v12;
	v16 =	vld [tilespmem:s3+$0x0]  }
0xbe: {  	s6 =	sor.u32 $0x280, s19;
	v14 =	vand.u32 $0x7F, v14;
	v18 =	vand.u32 $0xFFFFFC00, v18;
	v10 =	vld.idx.msk [tilespmem:v10+s13+$0x0], $0xffff  }
0xbf: {  	s7 =	sor.u32 $0x280, s2;
	v20 =	vld.idx.msk [tilespmem:v13+s13+$0x0], $0xffff;
	v13 =	vor.u32 v14, v9;
	v9 =	vand.u32 $0x7F, v15;
	[tilespmem:s6+$0x8800] =	vst v3;
	v3 =	vor.u32 $0x380, v5  }
0xc0: {  	v5 =	vor.u32 $0x200, v13;
	v14 =	vor.u32 v9, v18;
	v8 =	vld.idx.msk [tilespmem:v8+s13+$0x0], $0xffff;
	[tilespmem:s7+$0x8800] =	vst v6  }
0xc1: {  	p1 =	por !p1, !p1;
	s21 =	simm.s32 $0x80;
	v6 =	vor.u32 $0x200, v14;
	v9 =	vld.idx.msk [tilespmem:v17+s13+$0x0], $0xffff  }
0xc2: {  	s1 =	simm.s32 $0x1;
	s12 =	sor.u32 $0x300, s4;
	v2 =	vor.u32 $0x380, v2;
	s20 =	sand.u32 $0x7C0, s21;
	v12 =	vld.idx.msk [tilespmem:v19+s13+$0x0], $0xffff  }
0xc3: {  	s1 =	simm.s32 @!p1 $0x0;
	v7 =	vor.u32 $0x380, v7;
	v19 =	vld [tilespmem:s20+$0x30];
	[tilespmem:s12+$0x8800] =	vst v11  }
0xc4: {  	s1 =	sshll.u32 s1, $0x6;
	s23 =	sor.u32 $0x300, s0;
	v11 =	vor.u32 $0x280, v1;
	v3 =	vld.idx.msk [tilespmem:v3+s13+$0x0], $0xffff  }
0xc5: {  	s29 =	sadd.s32 $0x200, s1;
	s18 =	sor.u32 $0x300, s19;
	[tilespmem:s23+$0x8800] =	vst v10;
	v5 =	vld.idx.msk [tilespmem:v5+s13+$0x0], $0xffff  }
0xc6: {  	s6 =	sor.u32 $0x300, s2;
	[tilespmem:s18+$0x8800] =	vst v8;
	s18 =	sadd.s32 $0x30, s29;
	v15 =	vld.idx.msk [tilespmem:v6+s13+$0x0], $0xffff  }
0xc7: {  	v8 =	vld.idx.msk [tilespmem:v2+s13+$0x0], $0xffff;
	v2 =	vor.u32 $0x280, v13;
	s22 =	sor.u32 $0x200, s18;
	[tilespmem:s6+$0x8800] =	vst v9  }
0xc8: {  	v10 =	vor.u32 $0x280, v0;
	[tilespmem:s22+$0x8800] =	vst v12;
	v17 =	vld.idx.msk [tilespmem:v7+s13+$0x0], $0xffff  }
0xc9: {  	s4 =	sor.u32 $0x380, s4;
	s3 =	sadd.s32 $0x10, s29;
	v18 =	vor.u32 $0x280, v14;
	v21 =	vld.idx.msk [tilespmem:v11+s13+$0x0], $0xffff  }
0xca: {  	s31 =	simm.s32 $0xC0;
	v22 =	vor.u32 $0x380, v4;
	s7 =	sor.u32 $0x200, s3;
	v7 =	vld [tilespmem:s20+$0x10];
	[tilespmem:s4+$0x8800] =	vst v3;
	v3 =	vshll.u32 v16, $0x3  }
0xcb: {  	v23 =	vor.u32 $0x300, v1;
	s6 =	sadd.s32 $0x20, s29;
	v9 =	vld [tilespmem:s20+$0x20];
	s20 =	sor.u32 $0x200, s29;
	v11 =	vand.u32 $0x7F, v16;
	[tilespmem:s7+$0x8800] =	vst v5;
	v3 =	vand.u32 $0xFFFFFC00, v3  }
0xcc: {  	s11 =	sor.u32 $0x380, s19;
	v4 =	vor.u32 $0x380, v13;
	s12 =	sor.u32 $0x380, s2;
	v6 =	vor.u32 $0x300, v13;
	s24 =	sor.u32 $0x200, s6;
	[tilespmem:s20+$0x8800] =	vst v20;
	v13 =	vld.idx.msk [tilespmem:v2+s13+$0x0], $0xffff;
	v3 =	vor.u32 v11, v3  }
0xcd: {  	s30 =	sor.u32 $0x300, s3;
	s23 =	simm.s32 $0x200;
	s2 =	sor.u32 $0x280, s3;
	v5 =	vor.u32 $0x300, v14;
	[tilespmem:s24+$0x8800] =	vst v15;
	v2 =	vor.u32 $0x380, v14;
	v14 =	vld.idx.msk [tilespmem:v10+s13+$0x0], $0xffff;
	v11 =	vor.u32 $0x200, v3  }
0xce: {  	s22 =	sor.u32 $0x380, s0;
	s0 =	sor.u32 $0x280, s6;
	v16 =	vand.u32 $0x7F, v19;
	[tilespmem:s11+$0x8800] =	vst v8;
	v15 =	vshll.u32 v19, $0x3;
	s24 =	sor.u32 $0x280, s18;
	v12 =	vld.idx.msk [tilespmem:v18+s13+$0x0], $0xffff  }
0xcf: {  	s28 =	sor.u32 $0x300, s6;
	s19 =	sor.u32 $0x380, s6;
	s4 =	sor.u32 $0x280, s29;
	v8 =	vor.u32 $0x300, v0;
	v19 =	vand.u32 $0xFFFFFC00, v15;
	v15 =	vld.idx.msk [tilespmem:v22+s13+$0x0], $0xffff;
	[tilespmem:s24+$0x8800] =	vst v21;
	v10 =	vshll.u32 v7, $0x3  }
0xd0: {  	s20 =	sor.u32 $0x380, s3;
	v18 =	vshll.u32 v9, $0x3;
	s24 =	sor.u32 $0x300, s29;
	s29 =	sor.u32 $0x380, s29;
	[tilespmem:s12+$0x8800] =	vst v17;
	v17 =	vand.u32 $0xFFFFFC00, v10;
	v10 =	vor.u32 v16, v19;
	v16 =	vld.idx.msk [tilespmem:v23+s13+$0x0], $0xffff  }
.LBB2_5:
0xd1: {  	v19 =	vld [tilespmem:s31+$0x0];
	v7 =	vand.u32 $0x7F, v7;
	v18 =	vand.u32 $0xFFFFFC00, v18;
	v20 =	vor.u32 $0x200, v10  }
0xd2: {  	v9 =	vand.u32 $0x7F, v9;
	v11 =	vld.idx.msk [tilespmem:v11+s13+$0x0], $0xffff;
	v7 =	vor.u32 v7, v17;
	[tilespmem:s2+$0x8800] =	vst v13;
	v13 =	vor.u32 $0x380, v1;
	v1 =	vmovc v10  }
0xd3: {  	v9 =	vor.u32 v9, v18;
	v10 =	vor.u32 $0x200, v7;
	v17 =	vor.u32 $0x280, v7;
	v18 =	vld.idx.msk [tilespmem:v6+s13+$0x0], $0xffff;
	[tilespmem:s0+$0x8800] =	vst v12  }
0xd4: {  	v6 =	vor.u32 $0x300, v7;
	v12 =	vor.u32 $0x200, v9;
	v21 =	vor.u32 $0x280, v9;
	[tilespmem:s4+$0x8800] =	vst v14;
	v14 =	vld.idx.msk [tilespmem:v5+s13+$0x0], $0xffff  }
0xd5: {  	v7 =	vor.u32 $0x380, v7;
	s0 =	sor.u32 $0x300, s18;
	v5 =	vor.u32 $0x300, v9;
	v9 =	vor.u32 $0x380, v9;
	v8 =	vld.idx.msk [tilespmem:v8+s13+$0x0], $0xffff;
	[tilespmem:s22+$0x8800] =	vst v15;
	s22 =	smov.u32 s29  }
0xd6: {  	p1 =	por !p1, !p1;
	v15 =	vld.idx.msk [tilespmem:v20+s13+$0x0], $0xffff;
	[tilespmem:s0+$0x8800] =	vst v16;
	s0 =	simm.s32 $0x1  }
0xd7: {  	s0 =	simm.s32 @!p1 $0x0;
	v13 =	vld.idx.msk [tilespmem:v13+s13+$0x0], $0xffff  }
0xd8: {  	s23 =	sadd.s32 $0x200, s23;
	v16 =	vor.u32 $0x280, v1;
	s0 =	sshll.u32 s0, $0x6;
	v10 =	vld.idx.msk [tilespmem:v10+s13+$0x0], $0xffff  }
0xd9: {  	s21 =	sadd.s32 $0x40, s21;
	s1 =	sadd.s32 s0, s23;
	v12 =	vld.idx.msk [tilespmem:v12+s13+$0x0], $0xffff;
	[tilespmem:s30+$0x8800] =	vst v18  }
0xda: {  	s7 =	sand.u32 $0x7C0, s21;
	s3 =	sadd.s32 $0x10, s1;
	s6 =	sadd.s32 $0x30, s1;
	v18 =	vld.idx.msk [tilespmem:v4+s13+$0x0], $0xffff;
	[tilespmem:s28+$0x8800] =	vst v14;
	v4 =	vmov v7  }
0xdb: {  	p2 =	slt.u32 s21, $0x7C0;
	s11 =	sadd.s32 $0x20, s1;
	s0 =	sor.u32 $0x200, s6;
	[tilespmem:s24+$0x8800] =	vst v8;
	v20 =	vld.idx.msk [tilespmem:v2+s13+$0x0], $0xffff;
	v2 =	vmov v9  }
0xdc: {  	s4 =	sor.u32 $0x380, s18;
	s12 =	sor.u32 $0x200, s3;
	s29 =	sor.u32 $0x200, s11;
	v22 =	vld [tilespmem:s7+$0x30];
	[tilespmem:s0+$0x8800] =	vst v15  }
0xdd: {  	s18 =	sor.u32 $0x200, s1;
	v8 =	vor.u32 $0x280, v3;
	s2 =	sor.u32 $0x280, s3;
	s0 =	sor.u32 $0x280, s11;
	v15 =	vld.idx.msk [tilespmem:v16+s13+$0x0], $0xffff;
	[tilespmem:s4+$0x8800] =	vst v13  }
0xde: {  	v9 =	vshll.u32 v19, $0x3;
	s30 =	sor.u32 $0x300, s3;
	s28 =	sor.u32 $0x300, s11;
	v13 =	vand.u32 $0x7F, v19;
	s4 =	sor.u32 $0x280, s1;
	v7 =	vld [tilespmem:s7+$0x10];
	[tilespmem:s12+$0x8800] =	vst v10;
	v10 =	vor.u32 $0x380, v0;
	v0 =	vmovc v3  }
0xdf: {  	s24 =	sor.u32 $0x300, s1;
	s3 =	sor.u32 $0x380, s3;
	v16 =	vor.u32 $0x300, v1;
	v3 =	vand.u32 $0xFFFFFC00, v9;
	v9 =	vld [tilespmem:s7+$0x20];
	[tilespmem:s29+$0x8800] =	vst v12;
	s7 =	sor.u32 $0x380, s11  }
.Ltmp1:
0xe0: {  	v3 =	vor.u32 v13, v3;
	s29 =	sor.u32 $0x380, s1;
	[tilespmem:s18+$0x8800] =	vst v11;
	v13 =	vld.idx.msk [tilespmem:v17+s13+$0x0], $0xffff;
	(pc) =	sbr.rel @p2 .LBB2_5-.Ltmp1, $4  }
0xe1: {  	v11 =	vor.u32 $0x200, v3;
	s18 =	smov.u32 s6;
	v12 =	vld.idx.msk [tilespmem:v21+s13+$0x0], $0xffff;
	[tilespmem:s20+$0x8800] =	vst v18;
	s20 =	smov.u32 s3  }
0xe2: {  	v17 =	vshll.u32 v22, $0x3;
	s1 =	sor.u32 $0x280, s18;
	v14 =	vld.idx.msk [tilespmem:v8+s13+$0x0], $0xffff;
	v8 =	vor.u32 $0x300, v0;
	[tilespmem:s19+$0x8800] =	vst v20;
	s19 =	smov.u32 s7  }
0xe3: {  	v19 =	vand.u32 $0x7F, v22;
	v20 =	vand.u32 $0xFFFFFC00, v17;
	v18 =	vshll.u32 v7, $0x3;
	[tilespmem:s1+$0x8800] =	vst v15;
	v15 =	vld.idx.msk [tilespmem:v10+s13+$0x0], $0xffff  }
0xe4: {  	s31 =	sadd.s32 $0x40, s31;
	v10 =	vor.u32 v19, v20;
	v17 =	vand.u32 $0xFFFFFC00, v18;
	v18 =	vshll.u32 v9, $0x3;
	v16 =	vld.idx.msk [tilespmem:v16+s13+$0x0], $0xffff  }
0xe5: {  	v7 =	vand.u32 $0x7F, v7;
	v18 =	vand.u32 $0xFFFFFC00, v18  }
0xe6: {  	v19 =	vor.u32 $0x200, v10;
	v9 =	vand.u32 $0x7F, v9;
	v7 =	vor.u32 v7, v17  }
0xe7: {  	v9 =	vor.u32 v9, v18;
	v17 =	vor.u32 $0x200, v7  }
0xe8: {  	v18 =	vor.u32 $0x200, v9  }
0xe9: {  	[tilespmem:s2+$0x8800] =	vst v13;
	p1 =	por !p1, !p1;
	s1 =	simm.s32 $0x1;
	v11 =	vld.idx.msk [tilespmem:v11+s13+$0x0], $0xffff  }
0xea: {  	v6 =	vld.idx.msk [tilespmem:v6+s13+$0x0], $0xffff;
	[tilespmem:s0+$0x8800] =	vst v12;
	s1 =	simm.s32 @!p1 $0x0  }
0xeb: {  	s21 =	sadd.s32 $0x200, s23;
	v50 =	vor.u32 $0x280, v3;
	[tilespmem:s4+$0x8800] =	vst v14;
	s12 =	sshll.u32 s1, $0x6;
	v44 =	vld.idx.msk [tilespmem:v19+s13+$0x0], $0xffff  }
0xec: {  	v46 =	vor.u32 $0x280, v10;
	s23 =	sor.u32 $0x300, s18;
	[tilespmem:s22+$0x8800] =	vst v15;
	s0 =	sadd.s32 s12, s21;
	v45 =	vld.idx.msk [tilespmem:v17+s13+$0x0], $0xffff  }
0xed: {  	v47 =	vor.u32 $0x280, v7;
	[tilespmem:s23+$0x8800] =	vst v16;
	s7 =	sor.u32 $0x200, s0;
	v48 =	vld.idx.msk [tilespmem:v18+s13+$0x0], $0xffff  }
0xee: {  	v49 =	vor.u32 $0x280, v9;
	v5 =	vld.idx.msk [tilespmem:v5+s13+$0x0], $0xffff;
	s2 =	sadd.s32 $0x30, s0;
	[tilespmem:s7+$0x8800] =	vst v11  }
0xef: {  	v1 =	vor.u32 $0x380, v1;
	v8 =	vld.idx.msk [tilespmem:v8+s13+$0x0], $0xffff;
	s4 =	sadd.s32 $0x10, s0;
	[tilespmem:s30+$0x8800] =	vst v6;
	s30 =	sor.u32 $0x200, s2  }
0xf0: {  	s3 =	sadd.s32 $0x20, s0;
	s31 =	sor.u32 $0x200, s4;
	v6 =	vld.idx.msk [tilespmem:v50+s13+$0x0], $0xffff;
	[tilespmem:s30+$0x8800] =	vst v44  }
0xf1: {  	v55 =	vor.u32 $0x300, v3;
	s6 =	sor.u32 $0x200, s3;
	v12 =	vld.idx.msk [tilespmem:v46+s13+$0x0], $0xffff;
	[tilespmem:s31+$0x8800] =	vst v45  }
0xf2: {  	v51 =	vor.u32 $0x300, v10;
	[tilespmem:s6+$0x8800] =	vst v48;
	v52 =	vld.idx.msk [tilespmem:v47+s13+$0x0], $0xffff  }
0xf3: {  	v53 =	vor.u32 $0x300, v7;
	[tilespmem:s28+$0x8800] =	vst v5;
	v15 =	vld.idx.msk [tilespmem:v49+s13+$0x0], $0xffff  }
0xf4: {  	v54 =	vor.u32 $0x300, v9;
	s22 =	sor.u32 $0x280, s0;
	v1 =	vld.idx.msk [tilespmem:v1+s13+$0x0], $0xffff;
	[tilespmem:s24+$0x8800] =	vst v8  }
0xf5: {  	s11 =	sor.u32 $0x280, s2;
	v4 =	vld.idx.msk [tilespmem:v4+s13+$0x0], $0xffff;
	[tilespmem:s22+$0x8800] =	vst v6  }
0xf6: {  	v0 =	vor.u32 $0x380, v0;
	s12 =	sor.u32 $0x280, s4;
	v59 =	vld.idx.msk [tilespmem:v55+s13+$0x0], $0xffff;
	[tilespmem:s11+$0x8800] =	vst v12  }
0xf7: {  	v60 =	vor.u32 $0x380, v3;
	s21 =	sor.u32 $0x280, s3;
	v12 =	vld.idx.msk [tilespmem:v51+s13+$0x0], $0xffff;
	[tilespmem:s12+$0x8800] =	vst v52  }
0xf8: {  	v56 =	vor.u32 $0x380, v10;
	s23 =	sor.u32 $0x380, s18;
	[tilespmem:s21+$0x8800] =	vst v15;
	v11 =	vld.idx.msk [tilespmem:v53+s13+$0x0], $0xffff  }
0xf9: {  	v57 =	vor.u32 $0x380, v7;
	[tilespmem:s23+$0x8800] =	vst v1;
	v5 =	vld.idx.msk [tilespmem:v54+s13+$0x0], $0xffff  }
0xfa: {  	v58 =	vor.u32 $0x380, v9;
	v2 =	vld.idx.msk [tilespmem:v2+s13+$0x0], $0xffff;
	[tilespmem:s20+$0x8800] =	vst v4;
	s31 =	sor.u32 $0x300, s0  }
0xfb: {  	s24 =	sor.u32 $0x300, s2;
	v0 =	vld.idx.msk [tilespmem:v0+s13+$0x0], $0xffff;
	[tilespmem:s31+$0x8800] =	vst v59  }
0xfc: {  	s28 =	sor.u32 $0x300, s4;
	v63 =	vld.idx.msk [tilespmem:v60+s13+$0x0], $0xffff;
	[tilespmem:s24+$0x8800] =	vst v12  }
0xfd: {  	s30 =	sor.u32 $0x300, s3;
	v61 =	vld.idx.msk [tilespmem:v56+s13+$0x0], $0xffff;
	[tilespmem:s28+$0x8800] =	vst v11  }
0xfe: {  	[tilespmem:s30+$0x8800] =	vst v5;
	v62 =	vld.idx.msk [tilespmem:v57+s13+$0x0], $0xffff  }
0xff: {  	[tilespmem:s19+$0x8800] =	vst v2;
	v1 =	vld.idx.msk [tilespmem:v58+s13+$0x0], $0xffff  }
0x100: {  	s0 =	sor.u32 $0x380, s0;
	[tilespmem:s29+$0x8800] =	vst v0  }
0x101: {  	s2 =	sor.u32 $0x380, s2;
	[tilespmem:s0+$0x8800] =	vst v63  }
0x102: {  	s6 =	sor.u32 $0x380, s4;
	[tilespmem:s2+$0x8800] =	vst v61  }
0x103: {  	s7 =	sor.u32 $0x380, s3;
	[tilespmem:s6+$0x8800] =	vst v62  }
0x104: {  	[tilespmem:s7+$0x8800] =	vst v1  }
0x105: {  	s0 =	rddreg [dreg:$0x5]  }
0x106: {  	s11 =	simm.s32 $0x8A00;
	s0 =	sadd.s32 s16, s0  }
0x107: {  	[hbm4b:s0+s5] =	stream.linear.scatter [tilespmem:s11], [sflag:$0x3], $0x200, $0x38;
	[tilespmem:$0x10800] =	vst v63  }
0x108: {  	s18 =	simm.s32 $0x8E00;
	s12 =	sadd.s32 $0x80, s0  }
0x109: {  	[hbm4b:s12+s5] =	stream.linear.scatter [tilespmem:s18], [sflag:$0x3], $0x200, $0x38;
	[tilespmem:$0x10800] =	vst v63  }
0x10a: {  	s20 =	simm.s32 $0x9200;
	s19 =	sadd.s32 $0x100, s0  }
0x10b: {  	[hbm4b:s19+s5] =	stream.linear.scatter [tilespmem:s20], [sflag:$0x3], $0x200, $0x38;
	[tilespmem:$0x10800] =	vst v63  }
0x10c: {  	s22 =	simm.s32 $0x9600;
	s21 =	sadd.s32 $0x180, s0  }
0x10d: {  	[hbm4b:s21+s5] =	stream.linear.scatter [tilespmem:s22], [sflag:$0x3], $0x200, $0x38;
	[tilespmem:$0x10800] =	vst v63  }
0x10e: {  	s24 =	simm.s32 $0x9A00;
	s23 =	sadd.s32 $0x200, s0  }
0x10f: {  	[hbm4b:s23+s5] =	stream.linear.scatter [tilespmem:s24], [sflag:$0x3], $0x200, $0x38;
	[tilespmem:$0x10800] =	vst v63  }
0x110: {  	s29 =	simm.s32 $0x9E00;
	s28 =	sadd.s32 $0x280, s0  }
0x111: {  	[hbm4b:s28+s5] =	stream.linear.scatter [tilespmem:s29], [sflag:$0x3], $0x200, $0x38;
	[tilespmem:$0x10800] =	vst v63  }
0x112: {  	s31 =	simm.s32 $0xA200;
	s30 =	sadd.s32 $0x300, s0  }
0x113: {  	[hbm4b:s30+s5] =	stream.linear.scatter [tilespmem:s31], [sflag:$0x3], $0x200, $0x38;
	[tilespmem:$0x10800] =	vst v63  }
0x114: {  	s4 =	simm.s32 $0xA600;
	s3 =	sadd.s32 $0x380, s0  }
0x115: {  	[hbm4b:s3+s5] =	stream.linear.scatter [tilespmem:s4], [sflag:$0x3], $0x200, $0x38;
	[tilespmem:$0x10800] =	vst v63  }
0x116: {  	s7 =	simm.s32 $0xAA00;
	s6 =	sadd.s32 $0x400, s0  }
0x117: {  	[hbm4b:s6+s5] =	stream.linear.scatter [tilespmem:s7], [sflag:$0x3], $0x200, $0x38;
	[tilespmem:$0x10800] =	vst v63  }
0x118: {  	s11 =	sadd.s32 $0x480, s0;
	s12 =	simm.s32 $0xAE00  }
0x119: {  	[hbm4b:s11+s5] =	stream.linear.scatter [tilespmem:s12], [sflag:$0x3], $0x200, $0x38;
	[tilespmem:$0x10800] =	vst v63  }
0x11a: {  	s18 =	sadd.s32 $0x500, s0;
	s19 =	simm.s32 $0xB200  }
0x11b: {  	[hbm4b:s18+s5] =	stream.linear.scatter [tilespmem:s19], [sflag:$0x3], $0x200, $0x38;
	[tilespmem:$0x10800] =	vst v63  }
0x11c: {  	s20 =	sadd.s32 $0x580, s0;
	s21 =	simm.s32 $0xB600  }
0x11d: {  	[hbm4b:s20+s5] =	stream.linear.scatter [tilespmem:s21], [sflag:$0x3], $0x200, $0x38;
	[tilespmem:$0x10800] =	vst v63  }
0x11e: {  	s22 =	sadd.s32 $0x600, s0;
	s23 =	simm.s32 $0xBA00  }
0x11f: {  	[hbm4b:s22+s5] =	stream.linear.scatter [tilespmem:s23], [sflag:$0x3], $0x200, $0x38;
	[tilespmem:$0x10800] =	vst v63  }
0x120: {  	p1 =	sne.s32 s9, $0x1F;
	s24 =	sadd.s32 $0x680, s0;
	s28 =	simm.s32 $0xBE00  }
0x121: {  	[hbm4b:s24+s5] =	stream.linear.scatter [tilespmem:s28], [sflag:$0x3], $0x200, $0x38;
	[tilespmem:$0x10800] =	vst v63  }
.Ltmp2:
0x122: {  	_ = 	snop;
	(pc) =	sbr.rel @p1 .LBB2_8-.Ltmp2, $4  }
0x123: {  	s29 =	sadd.s32 $0x700, s0;
	s30 =	simm.s32 $0xC200  }
0x124: {  	[hbm4b:s29+s5] =	stream.linear.scatter [tilespmem:s30], [sflag:$0x3], $0x200, $0x38;
	[tilespmem:$0x10800] =	vst v63  }
0x125: {  	s0 =	sadd.s32 $0x780, s0;
	s31 =	simm.s32 $0xC600  }
0x126: {  	[hbm4b:s0+s5] =	stream.linear.scatter [tilespmem:s31], [sflag:$0x3], $0x200, $0x38;
	[tilespmem:$0x10800] =	vst v63  }
.Ltmp3:
0x127: {  	(pc) =	sbr.rel .LBB2_9-.Ltmp3, $4  }
0x128: {  	_ = 	snop  }
0x129: {  	_ =	swait.ge [sflag:s25], $0x4000  }
0x12a: {  	[sflag:s25] =	ssyncset.done $0x0  }
0x12b: {  	[sflag:s25] =	ssyncadd.s32 $0xFFFFC000  }
.LBB2_8:
0x12c: {  	s0 =	rddreg [dreg:$0x6]  }
.Ltmp4:
0x12d: {  	s0 =	sadd.s32 s16, s0;
	(pc) =	sbr.rel @p0 .LBB2_10-.Ltmp4, $4  }
0x12e: {  	[tilespmem:s13], [sflag:$0x1] =	stream.linear.gather [hbm4b:s0+s5], $0x4000, $0x38;
	[tilespmem:$0x10800] =	vst v63  }
0x12f: {  	_ =	swait.ge [sflag:s25], $0x4000  }
0x130: {  	[sflag:s25] =	ssyncset.done $0x0  }
0x131: {  	[sflag:s25] =	ssyncadd.s32 $0xFFFFC000  }
.LBB2_9:
0x132: {  	_ =	swait.ge [sflag:s26], $0x2000  }
0x133: {  	[sflag:s26] =	ssyncset.done $0x0  }
0x134: {  	[sflag:s26] =	ssyncadd.s32 $0xFFFFE000  }
0x135: {  	_ =	swait.ge [sflag:s26], $0x2000  }
0x136: {  	[sflag:s26] =	ssyncset.done $0x0  }
0x137: {  	[sflag:s26] =	ssyncadd.s32 $0xFFFFE000  }
.LBB2_10:
0x138: {  	s0 =	simm.s32 $0x0  }
0x139: {  	s18 =	sand.u32 $0x40, s0  }
0x13a: {  	s0 =	sand.u32 $0x780, s0;
	s1 =	sor.u32 $0x30, s18  }
0x13b: {  	s2 =	sor.u32 s1, s0  }
0x13c: {  	v0 =	vld [tilespmem:s2+$0x0]  }
0x13d: {  	s24 =	simm.s32 $0x0  }
0x13e: {  	v1 =	vld [tilespmem:s24+$0x0];
	s3 =	sor.u32 $0x10, s18  }
0x13f: {  	s6 =	sor.u32 $0x20, s18;
	s4 =	sor.u32 s3, s0  }
0x140: {  	s0 =	sor.u32 s6, s0;
	v2 =	vld [tilespmem:s4+$0x0]  }
0x141: {  	v3 =	vld [tilespmem:s0+$0x0];
	v4 =	vshll.u32 v0, $0x3  }
0x142: {  	v0 =	vand.u32 $0x7F, v0;
	v4 =	vand.u32 $0xFFFFFC00, v4  }
0x143: {  	v5 =	vshll.u32 v1, $0x3;
	v4 =	vor.u32 v0, v4  }
0x144: {  	v0 =	vand.u32 $0x7F, v1;
	v1 =	vand.u32 $0xFFFFFC00, v5  }
0x145: {  	v5 =	vor.u32 v0, v1;
	v0 =	vshll.u32 v2, $0x3  }
0x146: {  	s11 =	simm.s32 $0x40;
	s4 =	simm.s32 $0x40;
	v1 =	vshll.u32 v3, $0x3;
	v2 =	vand.u32 $0x7F, v2;
	v0 =	vand.u32 $0xFFFFFC00, v0  }
0x147: {  	v6 =	vld [tilespmem:s4+$0x0];
	s4 =	sand.u32 $0x40, s11;
	v1 =	vand.u32 $0xFFFFFC00, v1;
	v2 =	vor.u32 v2, v0;
	v0 =	vand.u32 $0x7F, v3  }
0x148: {  	s12 =	sand.u32 $0x780, s11;
	s21 =	sor.u32 $0x30, s4;
	v3 =	vor.u32 v0, v1;
	v0 =	vld.idx.msk [tilespmem:v4+s14+$0x0], $0xffff  }
0x149: {  	s20 =	sor.u32 $0x10, s4;
	s22 =	sor.u32 s21, s12  }
0x14a: {  	s7 =	sand.u32 $0x3C00, s24;
	s2 =	sor.u32 s20, s12;
	v11 =	vld [tilespmem:s22+$0x0];
	v1 =	vor.u32 $0x80, v4  }
0x14b: {  	s7 =	sadd.s32 $0xC800, s7;
	v13 =	vld [tilespmem:s2+$0x0]  }
0x14c: {  	s31 =	simm.s32 $0x80;
	s19 =	sor.u32 s1, s7;
	v8 =	vld.idx.msk [tilespmem:v2+s14+$0x0], $0xffff  }
0x14d: {  	s18 =	sor.u32 s18, s7;
	s0 =	sor.u32 s6, s7;
	s22 =	sand.u32 $0x40, s31;
	v9 =	vld.idx.msk [tilespmem:v3+s14+$0x0], $0xffff;
	[tilespmem:s19+$0x0] =	vst v0;
	v0 =	vor.u32 $0x80, v2  }
0x14e: {  	s2 =	sor.u32 s3, s7;
	s7 =	sand.u32 $0x780, s31;
	s29 =	sor.u32 $0x30, s22;
	v10 =	vor.u32 $0x80, v3;
	v7 =	vld.idx.msk [tilespmem:v5+s14+$0x0], $0xffff  }
0x14f: {  	s24 =	sor.u32 $0x20, s4;
	s11 =	sor.u32 s29, s7;
	v12 =	vor.u32 $0x80, v5;
	v1 =	vld.idx.msk [tilespmem:v1+s14+$0x0], $0xffff  }
0x150: {  	s23 =	sor.u32 s24, s12;
	v15 =	vshll.u32 v6, $0x3;
	v20 =	vld [tilespmem:s11+$0x0];
	v14 =	vor.u32 $0x100, v4  }
0x151: {  	v6 =	vand.u32 $0x7F, v6;
	v15 =	vand.u32 $0xFFFFFC00, v15;
	[tilespmem:s2+$0x0] =	vst v8;
	v8 =	vld [tilespmem:s23+$0x0]  }
0x152: {  	[tilespmem:s0+$0x0] =	vst v9;
	v9 =	vld.idx.msk [tilespmem:v0+s14+$0x0], $0xffff;
	v0 =	vor.u32 v6, v15  }
0x153: {  	[tilespmem:s18+$0x0] =	vst v7;
	v6 =	vor.u32 $0x100, v2;
	v15 =	vor.u32 $0x100, v3;
	v7 =	vld.idx.msk [tilespmem:v10+s14+$0x0], $0xffff;
	v10 =	vshll.u32 v11, $0x3  }
0x154: {  	v12 =	vld.idx.msk [tilespmem:v12+s14+$0x0], $0xffff;
	v11 =	vand.u32 $0x7F, v11;
	[tilespmem:s19+$0x80] =	vst v1;
	v1 =	vshll.u32 v13, $0x3;
	v10 =	vand.u32 $0xFFFFFC00, v10  }
0x155: {  	s3 =	simm.s32 $0x80;
	v14 =	vld.idx.msk [tilespmem:v14+s14+$0x0], $0xffff;
	v16 =	vand.u32 $0xFFFFFC00, v1;
	v1 =	vor.u32 v11, v10  }
0x156: {  	v4 =	vor.u32 $0x180, v4;
	v13 =	vand.u32 $0x7F, v13;
	v11 =	vld [tilespmem:s3+$0x0];
	v10 =	vshll.u32 v8, $0x3  }
0x157: {  	v13 =	vor.u32 v13, v16;
	v8 =	vand.u32 $0x7F, v8;
	v10 =	vand.u32 $0xFFFFFC00, v10;
	v17 =	vld.idx.msk [tilespmem:v0+s14+$0x0], $0xffff;
	[tilespmem:s2+$0x80] =	vst v9  }
0x158: {  	v16 =	vor.u32 v8, v10;
	[tilespmem:s0+$0x80] =	vst v7;
	v6 =	vld.idx.msk [tilespmem:v6+s14+$0x0], $0xffff  }
0x159: {  	v7 =	vor.u32 $0x100, v5;
	v8 =	vld.idx.msk [tilespmem:v15+s14+$0x0], $0xffff  }
0x15a: {  	v9 =	vld.idx.msk [tilespmem:v1+s14+$0x0], $0xffff;
	[tilespmem:s19+$0x100] =	vst v14  }
0x15b: {  	v2 =	vor.u32 $0x180, v2;
	v4 =	vld.idx.msk [tilespmem:v4+s14+$0x0], $0xffff  }
0x15c: {  	s23 =	simm.s32 $0x200;
	v14 =	vor.u32 $0x80, v1;
	v10 =	vld.idx.msk [tilespmem:v13+s14+$0x0], $0xffff  }
0x15d: {  	s28 =	sor.u32 $0x10, s22;
	s6 =	sand.u32 $0x3C00, s23;
	v3 =	vor.u32 $0x180, v3;
	[tilespmem:s18+$0x80] =	vst v12;
	v12 =	vld.idx.msk [tilespmem:v16+s14+$0x0], $0xffff  }
0x15e: {  	s12 =	sor.u32 s28, s7;
	s1 =	sadd.s32 $0xC800, s6;
	v7 =	vld.idx.msk [tilespmem:v7+s14+$0x0], $0xffff;
	[tilespmem:s2+$0x100] =	vst v6  }
0x15f: {  	s21 =	sor.u32 s21, s1;
	v19 =	vor.u32 $0x80, v16;
	[tilespmem:s0+$0x100] =	vst v8;
	v8 =	vld [tilespmem:s12+$0x0]  }
0x160: {  	v15 =	vld.idx.msk [tilespmem:v2+s14+$0x0], $0xffff;
	v2 =	vor.u32 $0x80, v13;
	[tilespmem:s21+$0x0] =	vst v9  }
0x161: {  	s30 =	sor.u32 $0x20, s22;
	s20 =	sor.u32 s20, s1;
	v21 =	vor.u32 $0x80, v0;
	v14 =	vld.idx.msk [tilespmem:v14+s14+$0x0], $0xffff;
	[tilespmem:s19+$0x180] =	vst v4  }
0x162: {  	s3 =	sor.u32 s30, s7;
	v22 =	vor.u32 $0x100, v1;
	v18 =	vld.idx.msk [tilespmem:v3+s14+$0x0], $0xffff;
	[tilespmem:s20+$0x0] =	vst v10;
	s19 =	sor.u32 s24, s1  }
0x163: {  	v23 =	vor.u32 $0x180, v5;
	v9 =	vld [tilespmem:s3+$0x0];
	s24 =	sor.u32 s4, s1;
	v4 =	vshll.u32 v11, $0x3;
	[tilespmem:s19+$0x0] =	vst v12  }
0x164: {  	[tilespmem:s24+$0x0] =	vst v17;
	v4 =	vand.u32 $0xFFFFFC00, v4;
	v12 =	vand.u32 $0x7F, v11;
	v11 =	vld.idx.msk [tilespmem:v19+s14+$0x0], $0xffff  }
0x165: {  	v5 =	vor.u32 $0x100, v16;
	v6 =	vor.u32 $0x100, v13;
	[tilespmem:s18+$0x100] =	vst v7;
	v4 =	vor.u32 v12, v4;
	v10 =	vld.idx.msk [tilespmem:v2+s14+$0x0], $0xffff  }
0x166: {  	v3 =	vor.u32 $0x180, v13;
	v17 =	vand.u32 $0x7F, v20;
	v7 =	vshll.u32 v20, $0x3;
	v12 =	vld.idx.msk [tilespmem:v21+s14+$0x0], $0xffff;
	[tilespmem:s21+$0x80] =	vst v14  }
0x167: {  	v7 =	vand.u32 $0xFFFFFC00, v7;
	v2 =	vor.u32 $0x180, v16;
	[tilespmem:s2+$0x180] =	vst v15;
	v14 =	vshll.u32 v8, $0x3;
	v13 =	vld.idx.msk [tilespmem:v22+s14+$0x0], $0xffff  }
0x168: {  	s9 =	sadd.s32 $0x1, s9;
	[tilespmem:s0+$0x180] =	vst v18;
	v16 =	vshll.u32 v9, $0x3;
	v7 =	vor.u32 v17, v7;
	s0 =	simm.s32 $0xC0;
	v15 =	vand.u32 $0xFFFFFC00, v14;
	v14 =	vld.idx.msk [tilespmem:v23+s14+$0x0], $0xffff  }
.LBB2_11:
0x169: {  	v17 =	vld [tilespmem:s0+$0x0];
	v8 =	vand.u32 $0x7F, v8;
	v16 =	vand.u32 $0xFFFFFC00, v16;
	v18 =	vor.u32 $0x180, v1;
	v1 =	vmovc v7  }
0x16a: {  	v9 =	vand.u32 $0x7F, v9;
	v19 =	vld.idx.msk [tilespmem:v4+s14+$0x0], $0xffff;
	v8 =	vor.u32 v8, v15;
	v15 =	vor.u32 $0x100, v0;
	[tilespmem:s20+$0x80] =	vst v10  }
0x16b: {  	v9 =	vor.u32 v9, v16;
	v10 =	vor.u32 $0x80, v8;
	v16 =	vld.idx.msk [tilespmem:v6+s14+$0x0], $0xffff;
	v6 =	vor.u32 $0x100, v8;
	[tilespmem:s19+$0x80] =	vst v11  }
0x16c: {  	v11 =	vor.u32 $0x180, v8;
	v20 =	vor.u32 $0x80, v9;
	[tilespmem:s24+$0x80] =	vst v12;
	v12 =	vld.idx.msk [tilespmem:v5+s14+$0x0], $0xffff;
	v5 =	vor.u32 $0x100, v9  }
0x16d: {  	v21 =	vor.u32 $0x180, v9;
	v7 =	vld.idx.msk [tilespmem:v7+s14+$0x0], $0xffff;
	[tilespmem:s21+$0x100] =	vst v13  }
0x16e: {  	v13 =	vld.idx.msk [tilespmem:v18+s14+$0x0], $0xffff;
	[tilespmem:s18+$0x180] =	vst v14;
	s18 =	smov.u32 s24  }
0x16f: {  	s23 =	sadd.s32 $0x200, s23;
	v14 =	vor.u32 $0x80, v1;
	v8 =	vld.idx.msk [tilespmem:v8+s14+$0x0], $0xffff  }
0x170: {  	s1 =	sand.u32 $0x3C00, s23;
	v9 =	vld.idx.msk [tilespmem:v9+s14+$0x0], $0xffff  }
0x171: {  	s31 =	sadd.s32 $0x40, s31;
	s1 =	sadd.s32 $0xC800, s1;
	v15 =	vld.idx.msk [tilespmem:v15+s14+$0x0], $0xffff;
	[tilespmem:s20+$0x100] =	vst v16  }
0x172: {  	s2 =	sand.u32 $0x40, s31;
	s3 =	sor.u32 s28, s1;
	s4 =	sor.u32 s29, s1;
	v16 =	vld.idx.msk [tilespmem:v3+s14+$0x0], $0xffff;
	[tilespmem:s19+$0x100] =	vst v12;
	v3 =	vmov v11  }
0x173: {  	s6 =	sand.u32 $0x780, s31;
	s28 =	sor.u32 $0x10, s2;
	s29 =	sor.u32 $0x30, s2;
	[tilespmem:s4+$0x0] =	vst v7;
	v7 =	vld.idx.msk [tilespmem:v2+s14+$0x0], $0xffff;
	v2 =	vmov v21  }
0x174: {  	s11 =	sor.u32 $0x20, s2;
	s7 =	sor.u32 s28, s6;
	s12 =	sor.u32 s29, s6;
	v14 =	vld.idx.msk [tilespmem:v14+s14+$0x0], $0xffff;
	[tilespmem:s21+$0x180] =	vst v13  }
0x175: {  	s6 =	sor.u32 s11, s6;
	s24 =	sor.u32 s22, s1;
	s1 =	sor.u32 s30, s1;
	v12 =	vor.u32 $0x80, v4;
	v13 =	vld [tilespmem:s12+$0x0];
	[tilespmem:s3+$0x0] =	vst v8  }
0x176: {  	p0 =	slt.u32 s31, $0x7C0;
	v18 =	vor.u32 $0x100, v1;
	s22 =	smov.u32 s2;
	s21 =	smov.u32 s4;
	v8 =	vld [tilespmem:s7+$0x0];
	[tilespmem:s1+$0x0] =	vst v9  }
0x177: {  	s30 =	smov.u32 s11;
	v11 =	vshll.u32 v17, $0x3;
	v9 =	vld [tilespmem:s6+$0x0];
	[tilespmem:s24+$0x0] =	vst v19;
	v19 =	vor.u32 $0x180, v0;
	v0 =	vmov v4  }
.Ltmp5:
0x178: {  	v11 =	vand.u32 $0xFFFFFC00, v11;
	v4 =	vand.u32 $0x7F, v17;
	v10 =	vld.idx.msk [tilespmem:v10+s14+$0x0], $0xffff;
	[tilespmem:s18+$0x100] =	vst v15;
	(pc) =	sbr.rel @p0 .LBB2_11-.Ltmp5, $4  }
0x179: {  	v4 =	vor.u32 v4, v11;
	v11 =	vld.idx.msk [tilespmem:v20+s14+$0x0], $0xffff;
	[tilespmem:s20+$0x180] =	vst v16;
	s20 =	smov.u32 s3  }
0x17a: {  	v15 =	vshll.u32 v13, $0x3;
	v12 =	vld.idx.msk [tilespmem:v12+s14+$0x0], $0xffff;
	[tilespmem:s21+$0x80] =	vst v14  }
0x17b: {  	v17 =	vand.u32 $0x7F, v13;
	v14 =	vshll.u32 v8, $0x3;
	v20 =	vand.u32 $0xFFFFFC00, v15;
	v13 =	vld.idx.msk [tilespmem:v18+s14+$0x0], $0xffff;
	[tilespmem:s19+$0x180] =	vst v7;
	s19 =	smov.u32 s1  }
0x17c: {  	s0 =	sadd.s32 $0x40, s0;
	v15 =	vand.u32 $0xFFFFFC00, v14;
	v16 =	vshll.u32 v9, $0x3;
	v7 =	vor.u32 v17, v20;
	v14 =	vld.idx.msk [tilespmem:v19+s14+$0x0], $0xffff  }
0x17d: {  	_ =	sdelay $0x2  }
0x17e: {  	v8 =	vand.u32 $0x7F, v8;
	[tilespmem:s20+$0x80] =	vst v10;
	v1 =	vor.u32 $0x180, v1  }
0x17f: {  	v16 =	vand.u32 $0xFFFFFC00, v16;
	v9 =	vand.u32 $0x7F, v9;
	v8 =	vor.u32 v8, v15;
	v6 =	vld.idx.msk [tilespmem:v6+s14+$0x0], $0xffff  }
0x180: {  	v10 =	vld.idx.msk [tilespmem:v7+s14+$0x0], $0xffff;
	v9 =	vor.u32 v9, v16;
	[tilespmem:s19+$0x80] =	vst v11  }
0x181: {  	s0 =	sadd.s32 $0x200, s23;
	v16 =	vld.idx.msk [tilespmem:v4+s14+$0x0], $0xffff;
	[tilespmem:s24+$0x80] =	vst v12  }
0x182: {  	s0 =	sand.u32 $0x3C00, s0;
	v12 =	vor.u32 $0x80, v7;
	v5 =	vld.idx.msk [tilespmem:v5+s14+$0x0], $0xffff;
	[tilespmem:s21+$0x100] =	vst v13  }
0x183: {  	s0 =	sadd.s32 $0xC800, s0;
	[tilespmem:s18+$0x180] =	vst v14;
	v1 =	vld.idx.msk [tilespmem:v1+s14+$0x0], $0xffff  }
0x184: {  	s1 =	sor.u32 s29, s0;
	v11 =	vld.idx.msk [tilespmem:v8+s14+$0x0], $0xffff;
	[tilespmem:s20+$0x100] =	vst v6;
	v6 =	vor.u32 $0x80, v4  }
0x185: {  	v15 =	vor.u32 $0x80, v8;
	s2 =	sor.u32 s28, s0;
	s3 =	sor.u32 s30, s0;
	s0 =	sor.u32 s22, s0;
	[tilespmem:s1+$0x0] =	vst v10;
	v13 =	vld.idx.msk [tilespmem:v9+s14+$0x0], $0xffff  }
0x186: {  	v17 =	vor.u32 $0x80, v9;
	[tilespmem:s0+$0x0] =	vst v16  }
0x187: {  	v10 =	vld.idx.msk [tilespmem:v12+s14+$0x0], $0xffff;
	[tilespmem:s19+$0x100] =	vst v5  }
0x188: {  	v14 =	vor.u32 $0x100, v0;
	v3 =	vld.idx.msk [tilespmem:v3+s14+$0x0], $0xffff;
	[tilespmem:s21+$0x180] =	vst v1  }
0x189: {  	[tilespmem:s2+$0x0] =	vst v11;
	v11 =	vor.u32 $0x100, v7;
	v5 =	vld.idx.msk [tilespmem:v6+s14+$0x0], $0xffff  }
0x18a: {  	v1 =	vor.u32 $0x100, v4;
	[tilespmem:s3+$0x0] =	vst v13;
	v12 =	vld.idx.msk [tilespmem:v15+s14+$0x0], $0xffff  }
0x18b: {  	v13 =	vor.u32 $0x100, v8;
	v15 =	vld.idx.msk [tilespmem:v17+s14+$0x0], $0xffff  }
0x18c: {  	v16 =	vor.u32 $0x100, v9;
	[tilespmem:s1+$0x80] =	vst v10  }
0x18d: {  	v6 =	vld.idx.msk [tilespmem:v14+s14+$0x0], $0xffff;
	[tilespmem:s20+$0x180] =	vst v3  }
0x18e: {  	v0 =	vor.u32 $0x180, v0;
	v10 =	vld.idx.msk [tilespmem:v11+s14+$0x0], $0xffff;
	[tilespmem:s0+$0x80] =	vst v5  }
0x18f: {  	v7 =	vor.u32 $0x180, v7;
	[tilespmem:s2+$0x80] =	vst v12;
	v1 =	vld.idx.msk [tilespmem:v1+s14+$0x0], $0xffff  }
0x190: {  	v3 =	vor.u32 $0x180, v4;
	[tilespmem:s3+$0x80] =	vst v15;
	v11 =	vld.idx.msk [tilespmem:v13+s14+$0x0], $0xffff  }
0x191: {  	v8 =	vor.u32 $0x180, v8;
	v5 =	vld.idx.msk [tilespmem:v16+s14+$0x0], $0xffff  }
0x192: {  	v9 =	vor.u32 $0x180, v9;
	v2 =	vld.idx.msk [tilespmem:v2+s14+$0x0], $0xffff;
	[tilespmem:s24+$0x100] =	vst v6  }
0x193: {  	v0 =	vld.idx.msk [tilespmem:v0+s14+$0x0], $0xffff;
	[tilespmem:s1+$0x100] =	vst v10  }
0x194: {  	v4 =	vld.idx.msk [tilespmem:v7+s14+$0x0], $0xffff;
	[tilespmem:s0+$0x100] =	vst v1  }
0x195: {  	[tilespmem:s2+$0x100] =	vst v11;
	v1 =	vld.idx.msk [tilespmem:v3+s14+$0x0], $0xffff  }
0x196: {  	[tilespmem:s3+$0x100] =	vst v5;
	v6 =	vld.idx.msk [tilespmem:v8+s14+$0x0], $0xffff  }
0x197: {  	[tilespmem:s19+$0x180] =	vst v2;
	v5 =	vld.idx.msk [tilespmem:v9+s14+$0x0], $0xffff  }
0x198: {  	[tilespmem:s24+$0x180] =	vst v0  }
0x199: {  	[tilespmem:s1+$0x180] =	vst v4  }
0x19a: {  	[tilespmem:s0+$0x180] =	vst v1  }
0x19b: {  	[tilespmem:s2+$0x180] =	vst v6  }
0x19c: {  	s19 =	simm.s32 $0xC800;
	s1 =	simm.s32 $0x0;
	s0 =	sadd.s32 s8, s17;
	[tilespmem:s3+$0x180] =	vst v5  }
0x19d: {  	[hbm4b:s0+s1] =	stream.linear.scatter [tilespmem:s19], [sflag:$0x4], $0x200, $0x38;
	[tilespmem:$0x10800] =	vst v63  }
0x19e: {  	s21 =	simm.s32 $0xCC00;
	s20 =	sadd.s32 $0x80, s0  }
0x19f: {  	[hbm4b:s20+s1] =	stream.linear.scatter [tilespmem:s21], [sflag:$0x4], $0x200, $0x38;
	[tilespmem:$0x10800] =	vst v63  }
0x1a0: {  	s23 =	simm.s32 $0xD000;
	s22 =	sadd.s32 $0x100, s0  }
0x1a1: {  	[hbm4b:s22+s1] =	stream.linear.scatter [tilespmem:s23], [sflag:$0x4], $0x200, $0x38;
	[tilespmem:$0x10800] =	vst v63  }
0x1a2: {  	s31 =	simm.s32 $0xD400;
	s24 =	sadd.s32 $0x180, s0  }
0x1a3: {  	[hbm4b:s24+s1] =	stream.linear.scatter [tilespmem:s31], [sflag:$0x4], $0x200, $0x38;
	[tilespmem:$0x10800] =	vst v63  }
0x1a4: {  	s6 =	simm.s32 $0xD800;
	s4 =	sadd.s32 $0x200, s0  }
0x1a5: {  	[hbm4b:s4+s1] =	stream.linear.scatter [tilespmem:s6], [sflag:$0x4], $0x200, $0x38;
	[tilespmem:$0x10800] =	vst v63  }
0x1a6: {  	s11 =	simm.s32 $0xDC00;
	s7 =	sadd.s32 $0x280, s0  }
0x1a7: {  	[hbm4b:s7+s1] =	stream.linear.scatter [tilespmem:s11], [sflag:$0x4], $0x200, $0x38;
	[tilespmem:$0x10800] =	vst v63  }
0x1a8: {  	s17 =	simm.s32 $0xE000;
	s12 =	sadd.s32 $0x300, s0  }
0x1a9: {  	[hbm4b:s12+s1] =	stream.linear.scatter [tilespmem:s17], [sflag:$0x4], $0x200, $0x38;
	[tilespmem:$0x10800] =	vst v63  }
0x1aa: {  	s18 =	sadd.s32 $0x380, s0;
	s19 =	simm.s32 $0xE400  }
0x1ab: {  	[hbm4b:s18+s1] =	stream.linear.scatter [tilespmem:s19], [sflag:$0x4], $0x200, $0x38;
	[tilespmem:$0x10800] =	vst v63  }
0x1ac: {  	s20 =	sadd.s32 $0x400, s0;
	s21 =	simm.s32 $0xE800  }
0x1ad: {  	[hbm4b:s20+s1] =	stream.linear.scatter [tilespmem:s21], [sflag:$0x4], $0x200, $0x38;
	[tilespmem:$0x10800] =	vst v63  }
0x1ae: {  	s22 =	sadd.s32 $0x480, s0;
	s23 =	simm.s32 $0xEC00  }
0x1af: {  	[hbm4b:s22+s1] =	stream.linear.scatter [tilespmem:s23], [sflag:$0x4], $0x200, $0x38;
	[tilespmem:$0x10800] =	vst v63  }
0x1b0: {  	s24 =	sadd.s32 $0x500, s0;
	s31 =	simm.s32 $0xF000  }
0x1b1: {  	[hbm4b:s24+s1] =	stream.linear.scatter [tilespmem:s31], [sflag:$0x4], $0x200, $0x38;
	[tilespmem:$0x10800] =	vst v63  }
0x1b2: {  	s4 =	sadd.s32 $0x580, s0;
	s6 =	simm.s32 $0xF400  }
0x1b3: {  	[hbm4b:s4+s1] =	stream.linear.scatter [tilespmem:s6], [sflag:$0x4], $0x200, $0x38;
	[tilespmem:$0x10800] =	vst v63  }
0x1b4: {  	s7 =	sadd.s32 $0x600, s0;
	s11 =	simm.s32 $0xF800  }
0x1b5: {  	[hbm4b:s7+s1] =	stream.linear.scatter [tilespmem:s11], [sflag:$0x4], $0x200, $0x38;
	[tilespmem:$0x10800] =	vst v63  }
0x1b6: {  	s12 =	sadd.s32 $0x680, s0;
	s17 =	simm.s32 $0xFC00  }
0x1b7: {  	[hbm4b:s12+s1] =	stream.linear.scatter [tilespmem:s17], [sflag:$0x4], $0x200, $0x38;
	[tilespmem:$0x10800] =	vst v63  }
0x1b8: {  	s18 =	sadd.s32 $0x700, s0;
	s19 =	simm.s32 $0x10000  }
0x1b9: {  	[hbm4b:s18+s1] =	stream.linear.scatter [tilespmem:s19], [sflag:$0x4], $0x200, $0x38;
	[tilespmem:$0x10800] =	vst v63  }
0x1ba: {  	s0 =	sadd.s32 $0x780, s0;
	s20 =	simm.s32 $0x10400;
	s21 =	simm.s32 $0x0  }
0x1bb: {  	[hbm4b:s0+s1] =	stream.linear.scatter [tilespmem:s20], [sflag:$0x4], $0x200, $0x38;
	[tilespmem:$0x10800] =	vst v63  }
0x1bc: {  	s0 =	sand.u32 $0x7C0, s21  }
0x1bd: {  	v1 =	vld [tilespmem:s0+$0x30];
	_ =	sdelay $0x1  }
0x1be: {  	v0 =	vld [tilespmem:s1+$0x0]  }
0x1bf: {  	v2 =	vld [tilespmem:s0+$0x10]  }
0x1c0: {  	v3 =	vld [tilespmem:s0+$0x20]  }
0x1c1: {  	v5 =	vshll.u32 v1, $0x3  }
0x1c2: {  	v1 =	vand.u32 $0x7F, v1;
	v5 =	vand.u32 $0xFFFFFC00, v5  }
0x1c3: {  	v4 =	vand.u32 $0x7F, v0;
	v0 =	vshll.u32 v0, $0x3;
	v5 =	vor.u32 v1, v5  }
0x1c4: {  	v0 =	vand.u32 $0xFFFFFC00, v0;
	v6 =	vor.u32 $0x200, v5  }
0x1c5: {  	v7 =	vshll.u32 v3, $0x3;
	v4 =	vor.u32 v4, v0;
	v1 =	vshll.u32 v2, $0x3  }
0x1c6: {  	v2 =	vand.u32 $0x7F, v2;
	v0 =	vor.u32 $0x200, v4;
	v1 =	vand.u32 $0xFFFFFC00, v1  }
0x1c7: {  	s22 =	simm.s32 $0x40;
	v7 =	vand.u32 $0xFFFFFC00, v7;
	v2 =	vor.u32 v2, v1;
	v1 =	vand.u32 $0x7F, v3  }
0x1c8: {  	p0 =	por $0x0, $0x0;
	s23 =	simm.s32 $0x40;
	s0 =	simm.s32 $0x1;
	v8 =	vld [tilespmem:s22+$0x0];
	v3 =	vor.u32 $0x200, v2;
	v7 =	vor.u32 v1, v7  }
0x1c9: {  	s1 =	sand.u32 $0x7C0, s23;
	s0 =	simm.s32 @!p0 $0x0;
	v1 =	vor.u32 $0x200, v7;
	v6 =	vld.idx.msk [tilespmem:v6+s14+$0x0], $0xffff  }
0x1ca: {  	v11 =	vld [tilespmem:s1+$0x30];
	s0 =	sshll.u32 s0, $0x6;
	v9 =	vor.u32 $0x280, v5  }
0x1cb: {  	s0 =	sadd.s32 $0x0, s0;
	v10 =	vld.idx.msk [tilespmem:v0+s14+$0x0], $0xffff  }
0x1cc: {  	v14 =	vld [tilespmem:s1+$0x10];
	s4 =	sadd.s32 $0x30, s0;
	v12 =	vor.u32 $0x280, v4  }
0x1cd: {  	s24 =	sor.u32 $0x200, s4;
	v0 =	vld.idx.msk [tilespmem:v3+s14+$0x0], $0xffff  }
0x1ce: {  	v3 =	vor.u32 $0x280, v2;
	v1 =	vld.idx.msk [tilespmem:v1+s14+$0x0], $0xffff;
	[tilespmem:s24+$0xC800] =	vst v6  }
0x1cf: {  	s11 =	sor.u32 $0x200, s0;
	v6 =	vor.u32 $0x280, v7;
	v9 =	vld.idx.msk [tilespmem:v9+s14+$0x0], $0xffff  }
0x1d0: {  	v15 =	vld [tilespmem:s1+$0x20];
	s31 =	sadd.s32 $0x10, s0;
	v13 =	vshll.u32 v8, $0x3;
	v16 =	vor.u32 $0x300, v5;
	[tilespmem:s11+$0xC800] =	vst v10  }
0x1d1: {  	s2 =	sadd.s32 $0x20, s0;
	s6 =	sor.u32 $0x200, s31;
	v8 =	vand.u32 $0x7F, v8;
	v13 =	vand.u32 $0xFFFFFC00, v13;
	v12 =	vld.idx.msk [tilespmem:v12+s14+$0x0], $0xffff  }
0x1d2: {  	s7 =	sor.u32 $0x200, s2;
	v10 =	vor.u32 $0x300, v4;
	[tilespmem:s6+$0xC800] =	vst v0;
	v0 =	vor.u32 v8, v13  }
0x1d3: {  	s12 =	sor.u32 $0x280, s4;
	[tilespmem:s7+$0xC800] =	vst v1;
	v3 =	vld.idx.msk [tilespmem:v3+s14+$0x0], $0xffff;
	v13 =	vor.u32 $0x200, v0;
	v1 =	vshll.u32 v11, $0x3  }
0x1d4: {  	v8 =	vor.u32 $0x300, v2;
	v11 =	vand.u32 $0x7F, v11;
	v1 =	vand.u32 $0xFFFFFC00, v1;
	v6 =	vld.idx.msk [tilespmem:v6+s14+$0x0], $0xffff;
	[tilespmem:s12+$0xC800] =	vst v9  }
0x1d5: {  	s17 =	simm.s32 $0x80;
	s21 =	sor.u32 $0x280, s0;
	v18 =	vshll.u32 v14, $0x3;
	v17 =	vor.u32 $0x300, v7;
	v1 =	vor.u32 v11, v1;
	v11 =	vld.idx.msk [tilespmem:v16+s14+$0x0], $0xffff  }
0x1d6: {  	v9 =	vand.u32 $0xFFFFFC00, v18;
	v18 =	vshll.u32 v15, $0x3;
	v19 =	vor.u32 $0x200, v1;
	[tilespmem:s21+$0xC800] =	vst v12;
	v16 =	vld [tilespmem:s17+$0x0]  }
0x1d7: {  	s19 =	sor.u32 $0x280, s31;
	v14 =	vand.u32 $0x7F, v14;
	v18 =	vand.u32 $0xFFFFFC00, v18;
	v10 =	vld.idx.msk [tilespmem:v10+s14+$0x0], $0xffff  }
0x1d8: {  	s20 =	sor.u32 $0x280, s2;
	v20 =	vld.idx.msk [tilespmem:v13+s14+$0x0], $0xffff;
	v13 =	vor.u32 v14, v9;
	v9 =	vand.u32 $0x7F, v15;
	[tilespmem:s19+$0xC800] =	vst v3;
	v3 =	vor.u32 $0x380, v5  }
0x1d9: {  	v5 =	vor.u32 $0x200, v13;
	v14 =	vor.u32 v9, v18;
	v8 =	vld.idx.msk [tilespmem:v8+s14+$0x0], $0xffff;
	[tilespmem:s20+$0xC800] =	vst v6  }
0x1da: {  	p0 =	por !p0, !p0;
	v6 =	vor.u32 $0x200, v14;
	s20 =	simm.s32 $0x80;
	v9 =	vld.idx.msk [tilespmem:v17+s14+$0x0], $0xffff  }
0x1db: {  	s1 =	simm.s32 $0x1;
	s22 =	sor.u32 $0x300, s4;
	v2 =	vor.u32 $0x380, v2;
	v12 =	vld.idx.msk [tilespmem:v19+s14+$0x0], $0xffff;
	s24 =	sand.u32 $0x7C0, s20  }
0x1dc: {  	s1 =	simm.s32 @!p0 $0x0;
	v7 =	vor.u32 $0x380, v7;
	[tilespmem:s22+$0xC800] =	vst v11;
	v19 =	vld [tilespmem:s24+$0x30]  }
0x1dd: {  	s1 =	sshll.u32 s1, $0x6;
	s12 =	sor.u32 $0x300, s0;
	v11 =	vor.u32 $0x280, v1;
	v3 =	vld.idx.msk [tilespmem:v3+s14+$0x0], $0xffff  }
0x1de: {  	s28 =	sadd.s32 $0x200, s1;
	s23 =	sor.u32 $0x300, s31;
	[tilespmem:s12+$0xC800] =	vst v10;
	v5 =	vld.idx.msk [tilespmem:v5+s14+$0x0], $0xffff  }
0x1df: {  	s6 =	sor.u32 $0x300, s2;
	s17 =	sadd.s32 $0x30, s28;
	[tilespmem:s23+$0xC800] =	vst v8;
	v15 =	vld.idx.msk [tilespmem:v6+s14+$0x0], $0xffff  }
0x1e0: {  	s11 =	sor.u32 $0x200, s17;
	v8 =	vld.idx.msk [tilespmem:v2+s14+$0x0], $0xffff;
	v2 =	vor.u32 $0x280, v13;
	[tilespmem:s6+$0xC800] =	vst v9  }
0x1e1: {  	v10 =	vor.u32 $0x280, v0;
	[tilespmem:s11+$0xC800] =	vst v12;
	v17 =	vld.idx.msk [tilespmem:v7+s14+$0x0], $0xffff  }
0x1e2: {  	s4 =	sor.u32 $0x380, s4;
	s19 =	sadd.s32 $0x10, s28;
	v18 =	vor.u32 $0x280, v14;
	v21 =	vld.idx.msk [tilespmem:v11+s14+$0x0], $0xffff  }
0x1e3: {  	s30 =	simm.s32 $0xC0;
	v22 =	vor.u32 $0x380, v4;
	s7 =	sor.u32 $0x200, s19;
	v7 =	vld [tilespmem:s24+$0x10];
	[tilespmem:s4+$0xC800] =	vst v3;
	v3 =	vshll.u32 v16, $0x3  }
0x1e4: {  	v23 =	vor.u32 $0x300, v1;
	s6 =	sadd.s32 $0x20, s28;
	v9 =	vld [tilespmem:s24+$0x20];
	s24 =	sor.u32 $0x200, s28;
	v11 =	vand.u32 $0x7F, v16;
	[tilespmem:s7+$0xC800] =	vst v5;
	v3 =	vand.u32 $0xFFFFFC00, v3  }
0x1e5: {  	s21 =	sor.u32 $0x380, s0;
	v4 =	vor.u32 $0x380, v13;
	v6 =	vor.u32 $0x300, v13;
	s11 =	sor.u32 $0x380, s31;
	s31 =	sor.u32 $0x200, s6;
	[tilespmem:s24+$0xC800] =	vst v20;
	v13 =	vld.idx.msk [tilespmem:v2+s14+$0x0], $0xffff;
	v3 =	vor.u32 v11, v3  }
0x1e6: {  	s29 =	sor.u32 $0x300, s19;
	s12 =	sor.u32 $0x380, s2;
	s22 =	simm.s32 $0x200;
	v5 =	vor.u32 $0x300, v14;
	[tilespmem:s31+$0xC800] =	vst v15;
	v2 =	vor.u32 $0x380, v14;
	v14 =	vld.idx.msk [tilespmem:v10+s14+$0x0], $0xffff;
	v11 =	vor.u32 $0x200, v3  }
0x1e7: {  	s2 =	sor.u32 $0x280, s19;
	s19 =	sor.u32 $0x380, s19;
	v16 =	vand.u32 $0x7F, v19;
	[tilespmem:s11+$0xC800] =	vst v8;
	v15 =	vshll.u32 v19, $0x3;
	s31 =	sor.u32 $0x280, s17;
	v12 =	vld.idx.msk [tilespmem:v18+s14+$0x0], $0xffff  }
0x1e8: {  	s23 =	sor.u32 $0x300, s28;
	s0 =	sor.u32 $0x280, s6;
	s18 =	sor.u32 $0x380, s6;
	v8 =	vor.u32 $0x300, v0;
	v19 =	vand.u32 $0xFFFFFC00, v15;
	v15 =	vld.idx.msk [tilespmem:v22+s14+$0x0], $0xffff;
	[tilespmem:s31+$0xC800] =	vst v21;
	v10 =	vshll.u32 v7, $0x3  }
0x1e9: {  	s4 =	sor.u32 $0x280, s28;
	s24 =	sor.u32 $0x300, s6;
	s28 =	sor.u32 $0x380, s28;
	v18 =	vshll.u32 v9, $0x3;
	[tilespmem:s12+$0xC800] =	vst v17;
	v17 =	vand.u32 $0xFFFFFC00, v10;
	v10 =	vor.u32 v16, v19;
	v16 =	vld.idx.msk [tilespmem:v23+s14+$0x0], $0xffff  }
.LBB2_13:
0x1ea: {  	v19 =	vld [tilespmem:s30+$0x0];
	v7 =	vand.u32 $0x7F, v7;
	v18 =	vand.u32 $0xFFFFFC00, v18;
	v20 =	vor.u32 $0x200, v10  }
0x1eb: {  	v9 =	vand.u32 $0x7F, v9;
	v11 =	vld.idx.msk [tilespmem:v11+s14+$0x0], $0xffff;
	v7 =	vor.u32 v7, v17;
	[tilespmem:s2+$0xC800] =	vst v13;
	v13 =	vor.u32 $0x380, v1;
	v1 =	vmovc v10  }
0x1ec: {  	v9 =	vor.u32 v9, v18;
	v10 =	vor.u32 $0x200, v7;
	v17 =	vor.u32 $0x280, v7;
	v18 =	vld.idx.msk [tilespmem:v6+s14+$0x0], $0xffff;
	[tilespmem:s0+$0xC800] =	vst v12  }
0x1ed: {  	v6 =	vor.u32 $0x300, v7;
	v12 =	vor.u32 $0x200, v9;
	v21 =	vor.u32 $0x280, v9;
	[tilespmem:s4+$0xC800] =	vst v14;
	v14 =	vld.idx.msk [tilespmem:v5+s14+$0x0], $0xffff  }
0x1ee: {  	v7 =	vor.u32 $0x380, v7;
	s0 =	sor.u32 $0x300, s17;
	v5 =	vor.u32 $0x300, v9;
	v9 =	vor.u32 $0x380, v9;
	v8 =	vld.idx.msk [tilespmem:v8+s14+$0x0], $0xffff;
	[tilespmem:s21+$0xC800] =	vst v15;
	s21 =	smov.u32 s28  }
0x1ef: {  	p0 =	por !p0, !p0;
	v15 =	vld.idx.msk [tilespmem:v20+s14+$0x0], $0xffff;
	[tilespmem:s0+$0xC800] =	vst v16;
	s0 =	simm.s32 $0x1  }
0x1f0: {  	s0 =	simm.s32 @!p0 $0x0;
	v13 =	vld.idx.msk [tilespmem:v13+s14+$0x0], $0xffff  }
0x1f1: {  	s22 =	sadd.s32 $0x200, s22;
	v16 =	vor.u32 $0x280, v1;
	s0 =	sshll.u32 s0, $0x6;
	v10 =	vld.idx.msk [tilespmem:v10+s14+$0x0], $0xffff  }
0x1f2: {  	s20 =	sadd.s32 $0x40, s20;
	s1 =	sadd.s32 s0, s22;
	v12 =	vld.idx.msk [tilespmem:v12+s14+$0x0], $0xffff;
	[tilespmem:s29+$0xC800] =	vst v18  }
0x1f3: {  	s7 =	sand.u32 $0x7C0, s20;
	s3 =	sadd.s32 $0x10, s1;
	s6 =	sadd.s32 $0x30, s1;
	v18 =	vld.idx.msk [tilespmem:v4+s14+$0x0], $0xffff;
	[tilespmem:s24+$0xC800] =	vst v14;
	v4 =	vmov v7  }
0x1f4: {  	p1 =	slt.u32 s20, $0x7C0;
	s11 =	sadd.s32 $0x20, s1;
	s0 =	sor.u32 $0x200, s6;
	[tilespmem:s23+$0xC800] =	vst v8;
	v20 =	vld.idx.msk [tilespmem:v2+s14+$0x0], $0xffff;
	v2 =	vmov v9  }
0x1f5: {  	s4 =	sor.u32 $0x380, s17;
	s12 =	sor.u32 $0x200, s3;
	s28 =	sor.u32 $0x200, s11;
	v22 =	vld [tilespmem:s7+$0x30];
	[tilespmem:s0+$0xC800] =	vst v15  }
0x1f6: {  	s17 =	sor.u32 $0x200, s1;
	v8 =	vor.u32 $0x280, v3;
	s2 =	sor.u32 $0x280, s3;
	s0 =	sor.u32 $0x280, s11;
	v15 =	vld.idx.msk [tilespmem:v16+s14+$0x0], $0xffff;
	[tilespmem:s4+$0xC800] =	vst v13  }
0x1f7: {  	v9 =	vshll.u32 v19, $0x3;
	s29 =	sor.u32 $0x300, s3;
	s24 =	sor.u32 $0x300, s11;
	v13 =	vand.u32 $0x7F, v19;
	s4 =	sor.u32 $0x280, s1;
	v7 =	vld [tilespmem:s7+$0x10];
	[tilespmem:s12+$0xC800] =	vst v10;
	v10 =	vor.u32 $0x380, v0;
	v0 =	vmovc v3  }
0x1f8: {  	s23 =	sor.u32 $0x300, s1;
	s3 =	sor.u32 $0x380, s3;
	v16 =	vor.u32 $0x300, v1;
	v3 =	vand.u32 $0xFFFFFC00, v9;
	v9 =	vld [tilespmem:s7+$0x20];
	[tilespmem:s28+$0xC800] =	vst v12;
	s7 =	sor.u32 $0x380, s11  }
.Ltmp6:
0x1f9: {  	v3 =	vor.u32 v13, v3;
	s28 =	sor.u32 $0x380, s1;
	[tilespmem:s17+$0xC800] =	vst v11;
	v13 =	vld.idx.msk [tilespmem:v17+s14+$0x0], $0xffff;
	(pc) =	sbr.rel @p1 .LBB2_13-.Ltmp6, $4  }
0x1fa: {  	v11 =	vor.u32 $0x200, v3;
	s17 =	smov.u32 s6;
	v12 =	vld.idx.msk [tilespmem:v21+s14+$0x0], $0xffff;
	[tilespmem:s19+$0xC800] =	vst v18;
	s19 =	smov.u32 s3  }
0x1fb: {  	v17 =	vshll.u32 v22, $0x3;
	s1 =	sor.u32 $0x280, s17;
	v14 =	vld.idx.msk [tilespmem:v8+s14+$0x0], $0xffff;
	v8 =	vor.u32 $0x300, v0;
	[tilespmem:s18+$0xC800] =	vst v20;
	s18 =	smov.u32 s7  }
0x1fc: {  	v19 =	vand.u32 $0x7F, v22;
	v20 =	vand.u32 $0xFFFFFC00, v17;
	v18 =	vshll.u32 v7, $0x3;
	[tilespmem:s1+$0xC800] =	vst v15;
	v15 =	vld.idx.msk [tilespmem:v10+s14+$0x0], $0xffff  }
0x1fd: {  	s30 =	sadd.s32 $0x40, s30;
	v10 =	vor.u32 v19, v20;
	v17 =	vand.u32 $0xFFFFFC00, v18;
	v18 =	vshll.u32 v9, $0x3;
	v16 =	vld.idx.msk [tilespmem:v16+s14+$0x0], $0xffff  }
0x1fe: {  	v7 =	vand.u32 $0x7F, v7;
	v18 =	vand.u32 $0xFFFFFC00, v18  }
0x1ff: {  	v19 =	vor.u32 $0x200, v10;
	v9 =	vand.u32 $0x7F, v9;
	v7 =	vor.u32 v7, v17  }
0x200: {  	v9 =	vor.u32 v9, v18;
	v17 =	vor.u32 $0x200, v7  }
0x201: {  	v18 =	vor.u32 $0x200, v9  }
0x202: {  	[tilespmem:s2+$0xC800] =	vst v13;
	p0 =	por !p0, !p0;
	s1 =	simm.s32 $0x1;
	v11 =	vld.idx.msk [tilespmem:v11+s14+$0x0], $0xffff  }
0x203: {  	v6 =	vld.idx.msk [tilespmem:v6+s14+$0x0], $0xffff;
	[tilespmem:s0+$0xC800] =	vst v12;
	s1 =	simm.s32 @!p0 $0x0  }
0x204: {  	v50 =	vor.u32 $0x280, v3;
	[tilespmem:s4+$0xC800] =	vst v14;
	s3 =	sshll.u32 s1, $0x6;
	s4 =	sadd.s32 $0x200, s22;
	v44 =	vld.idx.msk [tilespmem:v19+s14+$0x0], $0xffff  }
0x205: {  	v46 =	vor.u32 $0x280, v10;
	s6 =	sor.u32 $0x300, s17;
	[tilespmem:s21+$0xC800] =	vst v15;
	s0 =	sadd.s32 s3, s4;
	v45 =	vld.idx.msk [tilespmem:v17+s14+$0x0], $0xffff  }
0x206: {  	v47 =	vor.u32 $0x280, v7;
	[tilespmem:s6+$0xC800] =	vst v16;
	s20 =	sor.u32 $0x200, s0;
	v48 =	vld.idx.msk [tilespmem:v18+s14+$0x0], $0xffff  }
0x207: {  	v49 =	vor.u32 $0x280, v9;
	v5 =	vld.idx.msk [tilespmem:v5+s14+$0x0], $0xffff;
	s2 =	sadd.s32 $0x30, s0;
	[tilespmem:s20+$0xC800] =	vst v11  }
0x208: {  	v1 =	vor.u32 $0x380, v1;
	v8 =	vld.idx.msk [tilespmem:v8+s14+$0x0], $0xffff;
	s4 =	sadd.s32 $0x10, s0;
	s7 =	sor.u32 $0x200, s2;
	[tilespmem:s29+$0xC800] =	vst v6  }
0x209: {  	s3 =	sadd.s32 $0x20, s0;
	s11 =	sor.u32 $0x200, s4;
	v6 =	vld.idx.msk [tilespmem:v50+s14+$0x0], $0xffff;
	[tilespmem:s7+$0xC800] =	vst v44  }
0x20a: {  	v55 =	vor.u32 $0x300, v3;
	s12 =	sor.u32 $0x200, s3;
	v12 =	vld.idx.msk [tilespmem:v46+s14+$0x0], $0xffff;
	[tilespmem:s11+$0xC800] =	vst v45  }
0x20b: {  	v51 =	vor.u32 $0x300, v10;
	[tilespmem:s12+$0xC800] =	vst v48;
	v52 =	vld.idx.msk [tilespmem:v47+s14+$0x0], $0xffff  }
0x20c: {  	v53 =	vor.u32 $0x300, v7;
	[tilespmem:s24+$0xC800] =	vst v5;
	v15 =	vld.idx.msk [tilespmem:v49+s14+$0x0], $0xffff  }
0x20d: {  	v54 =	vor.u32 $0x300, v9;
	v1 =	vld.idx.msk [tilespmem:v1+s14+$0x0], $0xffff;
	s24 =	sor.u32 $0x280, s0;
	[tilespmem:s23+$0xC800] =	vst v8  }
0x20e: {  	s21 =	sor.u32 $0x280, s2;
	v4 =	vld.idx.msk [tilespmem:v4+s14+$0x0], $0xffff;
	[tilespmem:s24+$0xC800] =	vst v6  }
0x20f: {  	v0 =	vor.u32 $0x380, v0;
	s22 =	sor.u32 $0x280, s4;
	v59 =	vld.idx.msk [tilespmem:v55+s14+$0x0], $0xffff;
	[tilespmem:s21+$0xC800] =	vst v12  }
0x210: {  	v60 =	vor.u32 $0x380, v3;
	s23 =	sor.u32 $0x280, s3;
	v12 =	vld.idx.msk [tilespmem:v51+s14+$0x0], $0xffff;
	[tilespmem:s22+$0xC800] =	vst v52  }
0x211: {  	v56 =	vor.u32 $0x380, v10;
	s29 =	sor.u32 $0x380, s17;
	[tilespmem:s23+$0xC800] =	vst v15;
	v11 =	vld.idx.msk [tilespmem:v53+s14+$0x0], $0xffff  }
0x212: {  	v57 =	vor.u32 $0x380, v7;
	[tilespmem:s29+$0xC800] =	vst v1;
	v5 =	vld.idx.msk [tilespmem:v54+s14+$0x0], $0xffff  }
0x213: {  	v58 =	vor.u32 $0x380, v9;
	v2 =	vld.idx.msk [tilespmem:v2+s14+$0x0], $0xffff;
	s7 =	sor.u32 $0x300, s0;
	[tilespmem:s19+$0xC800] =	vst v4  }
0x214: {  	s30 =	sor.u32 $0x300, s2;
	v0 =	vld.idx.msk [tilespmem:v0+s14+$0x0], $0xffff;
	[tilespmem:s7+$0xC800] =	vst v59  }
0x215: {  	s31 =	sor.u32 $0x300, s4;
	v63 =	vld.idx.msk [tilespmem:v60+s14+$0x0], $0xffff;
	[tilespmem:s30+$0xC800] =	vst v12  }
0x216: {  	s6 =	sor.u32 $0x300, s3;
	v61 =	vld.idx.msk [tilespmem:v56+s14+$0x0], $0xffff;
	[tilespmem:s31+$0xC800] =	vst v11  }
0x217: {  	[tilespmem:s6+$0xC800] =	vst v5;
	v62 =	vld.idx.msk [tilespmem:v57+s14+$0x0], $0xffff  }
0x218: {  	[tilespmem:s18+$0xC800] =	vst v2;
	v1 =	vld.idx.msk [tilespmem:v58+s14+$0x0], $0xffff  }
0x219: {  	s0 =	sor.u32 $0x380, s0;
	[tilespmem:s28+$0xC800] =	vst v0  }
0x21a: {  	s11 =	sor.u32 $0x380, s2;
	[tilespmem:s0+$0xC800] =	vst v63  }
0x21b: {  	s12 =	sor.u32 $0x380, s4;
	[tilespmem:s11+$0xC800] =	vst v61  }
0x21c: {  	s17 =	sor.u32 $0x380, s3;
	[tilespmem:s12+$0xC800] =	vst v62  }
0x21d: {  	[tilespmem:s17+$0xC800] =	vst v1  }
0x21e: {  	s0 =	rddreg [dreg:$0x7]  }
0x21f: {  	s18 =	simm.s32 $0xCA00;
	s0 =	sadd.s32 s16, s0  }
0x220: {  	[hbm4b:s0+s5] =	stream.linear.scatter [tilespmem:s18], [sflag:$0x4], $0x200, $0x38;
	[tilespmem:$0x10800] =	vst v63  }
0x221: {  	s20 =	simm.s32 $0xCE00;
	s19 =	sadd.s32 $0x80, s0  }
0x222: {  	[hbm4b:s19+s5] =	stream.linear.scatter [tilespmem:s20], [sflag:$0x4], $0x200, $0x38;
	[tilespmem:$0x10800] =	vst v63  }
0x223: {  	s22 =	simm.s32 $0xD200;
	s21 =	sadd.s32 $0x100, s0  }
0x224: {  	[hbm4b:s21+s5] =	stream.linear.scatter [tilespmem:s22], [sflag:$0x4], $0x200, $0x38;
	[tilespmem:$0x10800] =	vst v63  }
0x225: {  	s24 =	simm.s32 $0xD600;
	s23 =	sadd.s32 $0x180, s0  }
0x226: {  	[hbm4b:s23+s5] =	stream.linear.scatter [tilespmem:s24], [sflag:$0x4], $0x200, $0x38;
	[tilespmem:$0x10800] =	vst v63  }
0x227: {  	s29 =	simm.s32 $0xDA00;
	s28 =	sadd.s32 $0x200, s0  }
0x228: {  	[hbm4b:s28+s5] =	stream.linear.scatter [tilespmem:s29], [sflag:$0x4], $0x200, $0x38;
	[tilespmem:$0x10800] =	vst v63  }
0x229: {  	s31 =	simm.s32 $0xDE00;
	s30 =	sadd.s32 $0x280, s0  }
0x22a: {  	[hbm4b:s30+s5] =	stream.linear.scatter [tilespmem:s31], [sflag:$0x4], $0x200, $0x38;
	[tilespmem:$0x10800] =	vst v63  }
0x22b: {  	s4 =	simm.s32 $0xE200;
	s3 =	sadd.s32 $0x300, s0  }
0x22c: {  	[hbm4b:s3+s5] =	stream.linear.scatter [tilespmem:s4], [sflag:$0x4], $0x200, $0x38;
	[tilespmem:$0x10800] =	vst v63  }
0x22d: {  	s7 =	simm.s32 $0xE600;
	s6 =	sadd.s32 $0x380, s0  }
0x22e: {  	[hbm4b:s6+s5] =	stream.linear.scatter [tilespmem:s7], [sflag:$0x4], $0x200, $0x38;
	[tilespmem:$0x10800] =	vst v63  }
0x22f: {  	s12 =	simm.s32 $0xEA00;
	s11 =	sadd.s32 $0x400, s0  }
0x230: {  	[hbm4b:s11+s5] =	stream.linear.scatter [tilespmem:s12], [sflag:$0x4], $0x200, $0x38;
	[tilespmem:$0x10800] =	vst v63  }
0x231: {  	s17 =	simm.s32 $0xEE00;
	s16 =	sadd.s32 $0x480, s0  }
0x232: {  	[hbm4b:s16+s5] =	stream.linear.scatter [tilespmem:s17], [sflag:$0x4], $0x200, $0x38;
	[tilespmem:$0x10800] =	vst v63  }
0x233: {  	s18 =	sadd.s32 $0x500, s0;
	s19 =	simm.s32 $0xF200  }
0x234: {  	[hbm4b:s18+s5] =	stream.linear.scatter [tilespmem:s19], [sflag:$0x4], $0x200, $0x38;
	[tilespmem:$0x10800] =	vst v63  }
0x235: {  	s20 =	sadd.s32 $0x580, s0;
	s21 =	simm.s32 $0xF600  }
0x236: {  	[hbm4b:s20+s5] =	stream.linear.scatter [tilespmem:s21], [sflag:$0x4], $0x200, $0x38;
	[tilespmem:$0x10800] =	vst v63  }
0x237: {  	s22 =	sadd.s32 $0x600, s0;
	s23 =	simm.s32 $0xFA00  }
0x238: {  	[hbm4b:s22+s5] =	stream.linear.scatter [tilespmem:s23], [sflag:$0x4], $0x200, $0x38;
	[tilespmem:$0x10800] =	vst v63  }
0x239: {  	p0 =	sne.s32 s9, $0x20;
	s24 =	sadd.s32 $0x680, s0;
	s28 =	simm.s32 $0xFE00  }
0x23a: {  	[hbm4b:s24+s5] =	stream.linear.scatter [tilespmem:s28], [sflag:$0x4], $0x200, $0x38;
	[tilespmem:$0x10800] =	vst v63  }
.Ltmp7:
0x23b: {  	_ = 	snop;
	(pc) =	sbr.rel @p0 .LBB2_2-.Ltmp7, $4  }
0x23c: {  	s29 =	sadd.s32 $0x700, s0;
	s30 =	simm.s32 $0x10200  }
0x23d: {  	[hbm4b:s29+s5] =	stream.linear.scatter [tilespmem:s30], [sflag:$0x4], $0x200, $0x38;
	[tilespmem:$0x10800] =	vst v63  }
0x23e: {  	s0 =	sadd.s32 $0x780, s0;
	s31 =	simm.s32 $0x10600  }
0x23f: {  	[hbm4b:s0+s5] =	stream.linear.scatter [tilespmem:s31], [sflag:$0x4], $0x200, $0x38;
	[tilespmem:$0x10800] =	vst v63  }
0x240: {  	s0 =	simm.s32 $0x3  }
0x241: {  	_ =	swait.ge [sflag:s0], $0x2000  }
0x242: {  	[sflag:s0] =	ssyncset.done $0x0  }
0x243: {  	[sflag:s0] =	ssyncadd.s32 $0xFFFFE000  }
0x244: {  	_ =	swait.ge [sflag:s0], $0x2000  }
0x245: {  	[sflag:s0] =	ssyncset.done $0x0  }
0x246: {  	[sflag:s0] =	ssyncadd.s32 $0xFFFFE000  }
0x247: {  	_ =	swait.ge [sflag:s26], $0x2000  }
0x248: {  	[sflag:s26] =	ssyncset.done $0x0  }
0x249: {  	[sflag:s26] =	ssyncadd.s32 $0xFFFFE000  }
0x24a: {  	_ =	swait.ge [sflag:s26], $0x2000  }
0x24b: {  	s1 =	rddreg [dreg:$0x9]  }
0x24c: {  	s31 =	rddreg [dreg:$0x8];
	s1 =	sadd.s32 $0x1, s1  }
0x24d: {  	p0 =	sne.s32 s1, s31  }
.Ltmp8:
0x24e: {  	_ = 	snop;
	(pc) =	sbr.rel @p0 .LBB2_1-.Ltmp8, $3  }
0x24f: {  	_ =	sdelay $0x1  }
0x250: {  	[sflag:s26] =	ssyncset.done $0x0  }
0x251: {  	[sflag:s26] =	ssyncadd.s32 $0xFFFFE000  }
0x252: {  	_ =	sfence.sel $0x180000  }
0x253: {  	[bflag:$0x0] =	sbarrier.arrive $0xFFFF  }
0x254: {  	_ =	strace $0x90000047  }
0x255: {  	s0 =	stileid.u32;
	[bflag:$0x2] =	sbarrier.arrive $0xFFFF  }
0x256: {  	p0 =	sne.s32 s0, $0x0;
	s0 =	rddreg [dreg:$0x3]  }
0x257: {  	s0 =	sadd.s32 @!p0 $0x100000, s0  }
0x258: {  	[sflag:s0] =	ssyncadd.tile.s32 @!p0 $0x1;
	_ =	shalt  }
.Lfunc_end2:
_tile_overlayer_lowered:
.L_overlay_start_2:
0x259: {  	(tag) =	ssettag $0x2  }
0x25a: {  	s0 =	rddreg [dreg:$0x0];
	s2 =	stileid.u32  }
0x25b: {  	s1 =	rddreg [dreg:$0x1];
	p0 =	sne.s32 s2, $0x0  }
0x25c: {  	s3 =	rddreg [dreg:$0x2];
	[bflag:$0x3] =	sbarrier.arrive $0xFFFF;
	s2 =	simm.s32 @!p0 $0x1C05  }
0x25d: {  	[timem:s3], [sflag:s2] =	dma.local @!p0 [hbm:s0], s1  }
0x25e: {  	s0 =	simm.s32 @!p0 $0x5  }
0x25f: {  	_ =	swait.ge @!p0 [sflag:s0], s1  }
0x260: {  	s1 =	ssub.s32 @!p0 $0x0, s1;
	[sflag:s0] =	ssyncset.done @!p0 $0x0  }
0x261: {  	[sflag:s0] =	ssyncadd.s32 @!p0 s1  }
0x262: {  	[bflag:$0x3] =	sbarrier.arrive $0xFFFF  }
0x263: {  	_ =	shalt  }

</sc_bundles>
